<compile_context>
chip_gen: v7x
topology: tpu7x:2x2x1
jax: 0.10.2.dev20260603
libtpu: 0.0.44.dev20260713+nightly
codegen_flags: <defaults>
</compile_context>

<pallas_src>
import numpy as np
import jax
import jax.numpy as jnp
from jax import lax
from jax.experimental import pallas as pl
from jax.experimental.pallas import tpu as pltpu
from jax.experimental.pallas import tpu_sc as plsc

N = 32768
NBINS = 768
NB2 = 2 * NBINS
NC, NS = 2, 16
NW = NC * NS
SHARD = N // NW
KV = SHARD // 16
COLS = 128
NCOLBLK = NB2 // COLS


def _i16(v):
  return jnp.full((16,), v, jnp.int32)


def _sc_body(coords, win0, cin0, win1, cin1, iw0, dl0, iw1, dl1, coorsb,
             cbuf, cbufB, w0v, w1v, r0v, r1v, d0v, d1v, c0v, c1v, c4v, hv,
             tmp, ptmp, basev, totv, semA, semB, semO, sh_hist, sh_pref):
  c = lax.axis_index("c")
  s = lax.axis_index("s")
  wid = c * NS + s
  mirror = (1 - c) * NS + s
  iota = lax.iota(jnp.int32, 16)
  zero16 = jnp.zeros((16,), jnp.int32)

  cp_own = pltpu.async_copy(coords.at[:, pl.ds(wid * SHARD, SHARD)],
                            cbuf, semA)
  cp_mir = pltpu.async_copy(coords.at[:, pl.ds(mirror * SHARD, SHARD)],
                            cbufB, semB)
  pending = []

  def run_pass(shard, is_own, buf, cp):
    def zb(j, _):
      plsc.store_scatter(hv, [zero16, j * 16 + iota], zero16)
      return 0
    lax.fori_loop(0, NB2 // 16, zb, 0)

    cp.wait()

    def kb(k, _):
      rows = k * 16 + iota
      b = plsc.load_gather(buf, [_i16(0), rows])
      z = plsc.load_gather(buf, [_i16(1), rows])
      y = plsc.load_gather(buf, [_i16(2), rows])
      x = plsc.load_gather(buf, [_i16(3), rows])
      if is_own:
        plsc.store_scatter(c4v, [_i16(0), rows], b)
        plsc.store_scatter(c4v, [_i16(1), rows], z)
        plsc.store_scatter(c4v, [_i16(2), rows], y)
        plsc.store_scatter(c4v, [_i16(3), rows], x)
      for off, boff, wv, rv, cv in ((8, 0, w0v, r0v, c0v),
                                    (4, NBINS, w1v, r1v, c1v)):
        sz = z + off
        sy = y + off
        sx = x + off
        w = (b * 48 + jnp.right_shift(sx, 3) * 12
             + jnp.right_shift(sy, 3) * 3 + jnp.right_shift(sz, 3))
        cnt, last = plsc.scan_count(w)
        g = plsc.load_gather(hv, [zero16, w + boff])
        plsc.store_scatter(hv, [zero16, w + boff], g + cnt, mask=last)
        if is_own:
          plsc.store_scatter(wv, [rows], w)
          plsc.store_scatter(rv, [rows], g + cnt - 1)
          plsc.store_scatter(cv, [_i16(0), rows], jnp.bitwise_and(sz, 7))
          plsc.store_scatter(cv, [_i16(1), rows], jnp.bitwise_and(sy, 7))
          plsc.store_scatter(cv, [_i16(2), rows], jnp.bitwise_and(sx, 7))
      return 0
    lax.fori_loop(0, KV, kb, 0)

    pltpu.sync_copy(hv, sh_hist.at[shard])

  base = wid * SHARD
  run_pass(wid, True, cbuf, cp_own)
  pending.append(pltpu.async_copy(w0v, win0.at[pl.ds(base, SHARD)], semO))
  pending.append(pltpu.async_copy(w1v, win1.at[pl.ds(base, SHARD)], semO))
  pending.append(pltpu.async_copy(c0v, cin0.at[:, pl.ds(base, SHARD)], semO))
  pending.append(pltpu.async_copy(c1v, cin1.at[:, pl.ds(base, SHARD)], semO))
  pending.append(pltpu.async_copy(c4v, coorsb.at[:, pl.ds(base, SHARD)], semO))
  run_pass(mirror, False, cbufB, cp_mir)

  plsc.subcore_barrier()

  @pl.when(s < NCOLBLK)
  def _phase_b():
    pltpu.sync_copy(sh_hist.at[:, 0, pl.ds(s * COLS, COLS)], tmp)
    nj = COLS // 16

    def pw(w, acc):
      wv16 = jnp.full((16,), w, jnp.int32)
      new = []
      for j in range(nj):
        cidx = j * 16 + iota
        plsc.store_scatter(ptmp, [wv16, cidx], acc[j])
        v = plsc.load_gather(tmp, [wv16, cidx])
        new.append(acc[j] + v)
      return tuple(new)
    acc = lax.fori_loop(0, NW, pw,
                        tuple(jnp.zeros((16,), jnp.int32) for _ in range(nj)))
    for j in range(nj):
      plsc.store_scatter(ptmp, [_i16(NW), j * 16 + iota], acc[j])
    pltpu.sync_copy(ptmp, sh_pref.at[:, 0, pl.ds(s * COLS, COLS)])

  plsc.subcore_barrier()

  pltpu.sync_copy(sh_pref.at[wid], basev)
  pltpu.sync_copy(sh_pref.at[NW], totv)

  def fb(k, _):
    rows = k * 16 + iota
    w0 = plsc.load_gather(w0v, [rows])
    w1 = plsc.load_gather(w1v, [rows])
    one = _i16(1)
    for w, rv, dv, boff in ((w0, r0v, d0v, 0), (w1, r1v, d1v, NBINS)):
      wb = w + boff
      bse = plsc.load_gather(basev, [zero16, wb])
      r = plsc.load_gather(rv, [rows])
      plsc.store_scatter(rv, [rows], bse + r)
      nb = plsc.load_gather(totv, [zero16, wb])
      dl = jnp.where(nb >= 30, one, zero16) + jnp.where(nb >= 60, one, zero16)
      plsc.store_scatter(dv, [rows], dl)
    return 0
  lax.fori_loop(0, KV, fb, 0)

  pending.append(pltpu.async_copy(r0v, iw0.at[pl.ds(base, SHARD)], semO))
  pending.append(pltpu.async_copy(d0v, dl0.at[pl.ds(base, SHARD)], semO))
  pending.append(pltpu.async_copy(r1v, iw1.at[pl.ds(base, SHARD)], semO))
  pending.append(pltpu.async_copy(d1v, dl1.at[pl.ds(base, SHARD)], semO))
  for cp in pending:
    cp.wait()


def _make_sc():
  mesh = plsc.VectorSubcoreMesh(core_axis_name="c", subcore_axis_name="s",
                                num_cores=NC, num_subcores=NS)
  i32 = jnp.int32
  return pl.kernel(
      _sc_body,
      out_type=(
          jax.ShapeDtypeStruct((N,), i32),
          jax.ShapeDtypeStruct((3, N), i32),
          jax.ShapeDtypeStruct((N,), i32),
          jax.ShapeDtypeStruct((3, N), i32),
          jax.ShapeDtypeStruct((N,), i32),
          jax.ShapeDtypeStruct((N,), i32),
          jax.ShapeDtypeStruct((N,), i32),
          jax.ShapeDtypeStruct((N,), i32),
          jax.ShapeDtypeStruct((4, N), i32),
      ),
      mesh=mesh,
      compiler_params=pltpu.CompilerParams(needs_layout_passes=False,
                                           skip_device_barrier=True),
      scratch_types=(
          pltpu.VMEM((4, SHARD), i32),
          pltpu.VMEM((4, SHARD), i32),
          pltpu.VMEM((SHARD,), i32),
          pltpu.VMEM((SHARD,), i32),
          pltpu.VMEM((SHARD,), i32),
          pltpu.VMEM((SHARD,), i32),
          pltpu.VMEM((SHARD,), i32),
          pltpu.VMEM((SHARD,), i32),
          pltpu.VMEM((3, SHARD), i32),
          pltpu.VMEM((3, SHARD), i32),
          pltpu.VMEM((4, SHARD), i32),
          pltpu.VMEM((1, NB2), i32),
          pltpu.VMEM((NW, COLS), i32),
          pltpu.VMEM((NW + 1, COLS), i32),
          pltpu.VMEM((1, NB2), i32),
          pltpu.VMEM((1, NB2), i32),
          pltpu.SemaphoreType.DMA,
          pltpu.SemaphoreType.DMA,
          pltpu.SemaphoreType.DMA,
          pltpu.VMEM_SHARED((NW, 1, NB2), i32),
          pltpu.VMEM_SHARED((NW + 1, 1, NB2), i32),
      ),
  )


def _pos_table():
  pos_length = 42
  i = np.arange(pos_length, dtype=np.float64)
  inv_freq = 10000.0 ** (2 * np.floor(i / 2) / pos_length)
  v = np.arange(8, dtype=np.float64) - 4.0
  e = v[:, None] / inv_freq[None, :]
  tab = np.where(i[None, :] % 2 == 0, np.sin(e), np.cos(e))
  T24 = np.zeros((24, 128), dtype=np.float32)
  T24[0:8, 0:42] = tab
  T24[8:16, 42:84] = tab
  T24[16:24, 84:126] = tab
  T = np.zeros((48, 256), dtype=np.float32)
  T[0:24, 0:128] = T24
  T[24:48, 128:256] = T24
  return T


_T_NP = _pos_table()


def _tc_body(cref, tref, p0ref, p1ref):
  c4 = cref[...]
  rows = c4.shape[1]
  z4 = c4[1:2, :]
  y4 = c4[2:3, :]
  x4 = c4[3:4, :]
  one = jnp.int32(1)
  packs = []
  for off in (8, 4):
    packs.append(
        jnp.left_shift(one, jnp.bitwise_and(x4 + off, 7))
        | jnp.left_shift(one, jnp.bitwise_and(y4 + off, 7) + 8)
        | jnp.left_shift(one, jnp.bitwise_and(z4 + off, 7) + 16))
  pt = jnp.concatenate(packs, axis=0).T
  p0c = pt[:, 0:1]
  p1c = pt[:, 1:2]
  lane = lax.broadcasted_iota(jnp.int32, (rows, 48), 1)
  lanemod = jnp.where(lane < 24, lane, lane - 24)
  psel = jnp.where(lane < 24, p0c, p1c)
  oh = jnp.bitwise_and(jnp.right_shift(psel, lanemod), 1).astype(jnp.float32)
  big = jnp.dot(oh, tref[...], preferred_element_type=jnp.float32)
  p0ref[...] = big[:, 0:128]
  p1ref[...] = big[:, 128:256]


def _make_tc():
  blk = 8192
  grid = N // blk
  return pl.pallas_call(
      _tc_body,
      grid=(grid,),
      in_specs=[pl.BlockSpec((4, blk), lambda g: (0, g)),
                pl.BlockSpec((48, 256), lambda g: (0, 0))],
      out_specs=[pl.BlockSpec((blk, 128), lambda g: (g, 0)),
                 pl.BlockSpec((blk, 128), lambda g: (g, 0))],
      out_shape=[jax.ShapeDtypeStruct((N, 128), jnp.float32),
                 jax.ShapeDtypeStruct((N, 128), jnp.float32)],
      compiler_params=pltpu.CompilerParams(
          dimension_semantics=("parallel",)),
  )


def kernel(voxel_feat, voxel_coords):
  coors = voxel_coords.astype(jnp.int32)
  coorsT = coors.T
  (win0, cin0c, win1, cin1c, iw0, dl0, iw1, dl1,
   coorsb) = _make_sc()(coorsT)
  pos0, pos1 = _make_tc()(coorsT, jnp.asarray(_T_NP))
  used = jnp.arange(N, dtype=jnp.int32)
  return (coorsb.T, voxel_feat, win0, cin0c.T, win1,
          cin1c.T, used, dl0, iw0, dl1, iw1, pos0, pos1)

# --- scband reference (transcript-rebuilt; emitter-appended) ---
"""Pipeline reference for scband-sstinput-layer-v2-67997922230596 (READ-ONLY COPY).

The authoritative reference and input builder live on the scoring server;
editing this copy changes nothing except your own understanding.
"""

import jax, jax.numpy as jnp
import numpy as np

N_VOX = 32768
D_FEAT = 128
COORD_MAX = 16
SPARSE_SHAPE = (17, 17, 16)   # (x, y, z)
WINDOW_SHAPE = (8, 8, 8)      # (x, y, z)
POS_TEMPERATURE = 10000.0
NORMALIZE_POS = False
DROP_RANGE = (30, 60, 100000)
DROP_TOKENS = (30, 60, 100000)


def get_window_coors(coors, sparse_shape, window_shape, do_shift):
    win_x, win_y, win_z = window_shape
    ss_x, ss_y, ss_z = sparse_shape
    max_nx = int(np.ceil(ss_x / win_x) + 1)
    max_ny = int(np.ceil(ss_y / win_y) + 1)
    max_nz = int(np.ceil(ss_z / win_z) + 1)
    max_per_sample = max_nx * max_ny * max_nz
    if do_shift:
        sx, sy, sz = win_x // 2, win_y // 2, win_z // 2
    else:
        sx, sy, sz = win_x, win_y, win_z
    if win_z == ss_z:
        sz = 0
    scx = coors[:, 3] + sx
    scy = coors[:, 2] + sy
    scz = coors[:, 1] + sz
    wx = scx // win_x
    wy = scy // win_y
    wz = scz // win_z
    batch_win_inds = coors[:, 0] * max_per_sample + wx * max_ny * max_nz + wy * max_nz + wz
    coors_in_win = jnp.stack([scz % win_z, scy % win_y, scx % win_x], axis=-1)
    return batch_win_inds, coors_in_win


def get_inner_win_inds(batch_win_inds):
    n = batch_win_inds.shape[0]
    sort_idx = jnp.argsort(batch_win_inds)  # stable by default
    sv = batch_win_inds[sort_idx]
    pos = jnp.arange(n)
    is_start = jnp.concatenate([jnp.ones((1,), dtype=bool), sv[1:] != sv[:-1]])
    start = jax.lax.cummax(jnp.where(is_start, pos, 0), axis=0)
    inner_sorted = pos - start
    return jnp.zeros((n,), dtype=batch_win_inds.dtype).at[sort_idx].set(inner_sorted.astype(batch_win_inds.dtype))


def drop_single_shift(batch_win_inds):
    drop_lvl = -jnp.ones_like(batch_win_inds)
    inner = get_inner_win_inds(batch_win_inds)
    max_nx = int(np.ceil(SPARSE_SHAPE[0] / WINDOW_SHAPE[0]) + 1)
    max_ny = int(np.ceil(SPARSE_SHAPE[1] / WINDOW_SHAPE[1]) + 1)
    max_nz = int(np.ceil(SPARSE_SHAPE[2] / WINDOW_SHAPE[2]) + 1)
    bincount = jnp.bincount(batch_win_inds, length=COORD_MAX * max_nx * max_ny * max_nz)
    num_before = bincount[batch_win_inds]
    target = jnp.zeros_like(batch_win_inds)
    for dl in range(len(DROP_RANGE)):
        max_tokens = DROP_TOKENS[dl]
        lower = 0 if dl == 0 else DROP_RANGE[dl - 1]
        upper = DROP_RANGE[dl]
        mask = (num_before >= lower) & (num_before < upper)
        target = jnp.where(mask, jnp.asarray(max_tokens, target.dtype), target)
        drop_lvl = jnp.where(mask, jnp.asarray(dl, drop_lvl.dtype), drop_lvl)
    keep_mask = inner < target
    return keep_mask, drop_lvl, inner


def get_pos_embed(coors_in_win, feat_dim):
    win_x, win_y, win_z = WINDOW_SHAPE
    ndim = 3
    z = coors_in_win[:, 0].astype(jnp.float32) - win_z / 2.0
    y = coors_in_win[:, 1].astype(jnp.float32) - win_y / 2.0
    x = coors_in_win[:, 2].astype(jnp.float32) - win_x / 2.0
    if NORMALIZE_POS:
        x = x / win_x * 2 * 3.1415
        y = y / win_y * 2 * 3.1415
        z = z / win_z * 2 * 3.1415
    pos_length = feat_dim // ndim
    i = jnp.arange(pos_length, dtype=jnp.float32)
    inv_freq = POS_TEMPERATURE ** (2 * jnp.floor(i / 2) / pos_length)
    ex = x[:, None] / inv_freq[None, :]
    ey = y[:, None] / inv_freq[None, :]
    ez = z[:, None] / inv_freq[None, :]
    def interleave(e):
        return jnp.stack([jnp.sin(e[:, 0::2]), jnp.cos(e[:, 1::2])], axis=-1).reshape(e.shape[0], -1)
    pe = jnp.concatenate([interleave(ex), interleave(ey), interleave(ez)], axis=-1)
    gap = feat_dim - pe.shape[1]
    if gap > 0:
        pe = jnp.concatenate([pe, jnp.zeros((pe.shape[0], gap), dtype=pe.dtype)], axis=1)
    return pe


def setup_inputs(seed: int = 0):
    key = jax.random.key(seed)
    kf, kc = jax.random.split(key)
    voxel_feat = jax.random.normal(kf, (N_VOX, D_FEAT), dtype=jnp.float32)
    voxel_coords = jax.random.randint(kc, (N_VOX, 4), 0, COORD_MAX)
    return {"voxel_feat": voxel_feat, "voxel_coords": voxel_coords}


def reference(voxel_feat, voxel_coords):
    coors = voxel_coords.astype(jnp.int32)
    n = coors.shape[0]
    win0, cin0 = get_window_coors(coors, SPARSE_SHAPE, WINDOW_SHAPE, False)
    win1, cin1 = get_window_coors(coors, SPARSE_SHAPE, WINDOW_SHAPE, True)
    keep_mask = jnp.ones((n,), dtype=bool)
    used_indices = jnp.arange(n)
    wins = [win0, win1]
    drop_lvls = [jnp.zeros((n,), dtype=win0.dtype) - 1, jnp.zeros((n,), dtype=win1.dtype) - 1]
    inws = [jnp.zeros((n,), dtype=win0.dtype) - 1, jnp.zeros((n,), dtype=win1.dtype) - 1]
    for i in range(2):
        keep_idx = jnp.nonzero(keep_mask, size=keep_mask.shape[0])[0]
        km_i, dl_i, iw_i = drop_single_shift(wins[i][keep_idx])
        drop_lvls[i] = drop_lvls[i].at[keep_idx].set(dl_i)
        inws[i] = inws[i].at[keep_idx].set(iw_i)
        keep_mask = keep_mask.at[keep_idx].set(km_i)
    kidx = jnp.nonzero(keep_mask, size=keep_mask.shape[0])[0]
    coors_f = coors[kidx]
    feat_f = voxel_feat[kidx]
    win0_f = win0[kidx]
    cin0_f = cin0[kidx]
    win1_f = win1[kidx]
    cin1_f = cin1[kidx]
    used_f = used_indices[kidx]
    dl0_f = drop_lvls[0][kidx]
    iw0_f = inws[0][kidx]
    dl1_f = drop_lvls[1][kidx]
    iw1_f = inws[1][kidx]
    pos0 = get_pos_embed(cin0_f, feat_f.shape[1])
    pos1 = get_pos_embed(cin1_f, feat_f.shape[1])
    return (coors_f, feat_f, win0_f, cin0_f, win1_f, cin1_f, used_f, dl0_f, iw0_f, dl1_f, iw1_f, pos0, pos1)

if __name__ == "__main__":
    import jax
    _d = setup_inputs()
    print(jax.jit(kernel)(*tuple(_d.values())))

</pallas_src>

<mosaic_0001>
#map = affine_map<(d0, d1) -> (0, 0)>
#map1 = affine_map<(d0, d1) -> (0)>
module attributes {stable_mosaic.version = 14 : i64} {
  func.func @_sc_body(%arg0: i32, %arg1: i32, %arg2: memref<4x32768xi32, #tpu.memory_space<hbm>>, %arg3: memref<32768xi32, #tpu.memory_space<hbm>>, %arg4: memref<3x32768xi32, #tpu.memory_space<hbm>>, %arg5: memref<32768xi32, #tpu.memory_space<hbm>>, %arg6: memref<3x32768xi32, #tpu.memory_space<hbm>>, %arg7: memref<32768xi32, #tpu.memory_space<hbm>>, %arg8: memref<32768xi32, #tpu.memory_space<hbm>>, %arg9: memref<32768xi32, #tpu.memory_space<hbm>>, %arg10: memref<32768xi32, #tpu.memory_space<hbm>>, %arg11: memref<4x32768xi32, #tpu.memory_space<hbm>>, %arg12: memref<4x1024xi32, #tpu.memory_space<vmem>>, %arg13: memref<4x1024xi32, #tpu.memory_space<vmem>>, %arg14: memref<1024xi32, #tpu.memory_space<vmem>>, %arg15: memref<1024xi32, #tpu.memory_space<vmem>>, %arg16: memref<1024xi32, #tpu.memory_space<vmem>>, %arg17: memref<1024xi32, #tpu.memory_space<vmem>>, %arg18: memref<1024xi32, #tpu.memory_space<vmem>>, %arg19: memref<1024xi32, #tpu.memory_space<vmem>>, %arg20: memref<3x1024xi32, #tpu.memory_space<vmem>>, %arg21: memref<3x1024xi32, #tpu.memory_space<vmem>>, %arg22: memref<4x1024xi32, #tpu.memory_space<vmem>>, %arg23: memref<1x1536xi32, #tpu.memory_space<vmem>>, %arg24: memref<32x128xi32, #tpu.memory_space<vmem>>, %arg25: memref<33x128xi32, #tpu.memory_space<vmem>>, %arg26: memref<1x1536xi32, #tpu.memory_space<vmem>>, %arg27: memref<1x1536xi32, #tpu.memory_space<vmem>>, %arg28: memref<!tpu.dma_semaphore, #tpu.memory_space<semaphore_mem>>, %arg29: memref<!tpu.dma_semaphore, #tpu.memory_space<semaphore_mem>>, %arg30: memref<!tpu.dma_semaphore, #tpu.memory_space<semaphore_mem>>, %arg31: memref<32x1x1536xi32, #tpu.memory_space<vmem_shared>>, %arg32: memref<33x1x1536xi32, #tpu.memory_space<vmem_shared>>) attributes {dimension_semantics = [#tpu.dimension_semantics<core_parallel>, #tpu.dimension_semantics<subcore_parallel>], iteration_bounds = array<i64: 2, 16>, scalar_prefetch = 0 : i64, scratch_operands = 21 : i64, tpu.core_type = #tpu.core_type<sc_vector_subcore>, window_params = [{transform_indices = #map}, {transform_indices = #map1}, {transform_indices = #map}, {transform_indices = #map1}, {transform_indices = #map}, {transform_indices = #map1}, {transform_indices = #map1}, {transform_indices = #map1}, {transform_indices = #map1}, {transform_indices = #map}]} {
    %mul3A = arith.constant 16 : i32
    %mul3A_0 = arith.muli %arg0, %mul3A : i32
    %add3A = arith.addi %mul3A_0, %arg1 : i32
    %sub3A = arith.constant 1 : i32
    %sub3A_1 = arith.subi %sub3A, %arg0 : i32
    %mul3A_2 = arith.constant 16 : i32
    %mul3A_3 = arith.muli %sub3A_1, %mul3A_2 : i32
    %add3A_4 = arith.addi %mul3A_3, %arg1 : i32
    %iota3A = tpu.iota {dimensions = array<i32: 0>} : vector<16xi32>
    %broadcast_in_dim3A = arith.constant 0 : i32
    %broadcast_in_dim3A_5 = vector.broadcast %broadcast_in_dim3A : i32 to vector<16xi32>
    %mul3A_6 = arith.constant 1024 : i32
    %mul3A_7 = arith.muli %add3A, %mul3A_6 : i32
    %dma_start3A = arith.constant 0 : i32
    %dma_start3A_8 = tpu.memref_slice %arg2[%dma_start3A, %mul3A_7] : memref<4x32768xi32, #tpu.memory_space<hbm>> -> memref<4x1024xi32, #tpu.memory_space<hbm>>
    %dma_start3A_9 = arith.constant 0 : i32
    %dma_start3A_10 = tpu.memref_slice %arg2[%dma_start3A_9, %mul3A_7] : memref<4x32768xi32, #tpu.memory_space<hbm>> -> memref<4x1024xi32, #tpu.memory_space<hbm>>
    tpu.enqueue_dma source(%dma_start3A_10 : memref<4x1024xi32, #tpu.memory_space<hbm>>) target(%arg12 : memref<4x1024xi32, #tpu.memory_space<vmem>>) target_semaphore(%arg28 : memref<!tpu.dma_semaphore, #tpu.memory_space<semaphore_mem>>)
    %mul3A_11 = arith.constant 1024 : i32
    %mul3A_12 = arith.muli %add3A_4, %mul3A_11 : i32
    %dma_start3A_13 = arith.constant 0 : i32
    %dma_start3A_14 = tpu.memref_slice %arg2[%dma_start3A_13, %mul3A_12] : memref<4x32768xi32, #tpu.memory_space<hbm>> -> memref<4x1024xi32, #tpu.memory_space<hbm>>
    %dma_start3A_15 = arith.constant 0 : i32
    %dma_start3A_16 = tpu.memref_slice %arg2[%dma_start3A_15, %mul3A_12] : memref<4x32768xi32, #tpu.memory_space<hbm>> -> memref<4x1024xi32, #tpu.memory_space<hbm>>
    tpu.enqueue_dma source(%dma_start3A_16 : memref<4x1024xi32, #tpu.memory_space<hbm>>) target(%arg13 : memref<4x1024xi32, #tpu.memory_space<vmem>>) target_semaphore(%arg29 : memref<!tpu.dma_semaphore, #tpu.memory_space<semaphore_mem>>)
    %mul3A_17 = arith.constant 1024 : i32
    %mul3A_18 = arith.muli %add3A, %mul3A_17 : i32
    %scan3A = arith.constant 0 : i32
    %scan3A_19 = arith.constant 0 : i32
    %scan3A_20 = arith.constant 96 : i32
    %scan3A_21 = arith.addi %scan3A_19, %scan3A_20 : i32
    %scan3A_22 = arith.constant 1 : i32
    %scan3A_23 = scf.for %scan3A_111 = %scan3A_19 to %scan3A_21 step %scan3A_22 iter_args(%scan3A_112 = %scan3A) -> (i32)  : i32 {
      %mul3A_113 = arith.constant 16 : i32
      %mul3A_114 = arith.muli %scan3A_111, %mul3A_113 : i32
      %add3A_115 = vector.broadcast %mul3A_114 : i32 to vector<16xi32>
      %add3A_116 = arith.addi %add3A_115, %iota3A : vector<16xi32>
      tpu.vector_store_idx %arg23[%broadcast_in_dim3A_5, %add3A_116], %broadcast_in_dim3A_5 : memref<1x1536xi32, #tpu.memory_space<vmem>>[vector<16xi32>, vector<16xi32>], vector<16xi32>,
      %scan3A_117 = arith.constant 0 : i32
      scf.yield %scan3A_117 : i32
    }
    %scan3A_24 = arith.constant 96 : i32
    %dma_wait3A = arith.constant 0 : i32
    %dma_wait3A_25 = tpu.memref_slice %arg2[%dma_wait3A, %mul3A_7] : memref<4x32768xi32, #tpu.memory_space<hbm>> -> memref<4x1024xi32, #tpu.memory_space<hbm>>
    %dma_wait3A_26 = arith.constant 0 : i32
    %dma_wait3A_27 = tpu.memref_slice %arg2[%dma_wait3A_26, %mul3A_7] : memref<4x32768xi32, #tpu.memory_space<hbm>> -> memref<4x1024xi32, #tpu.memory_space<hbm>>
    tpu.wait_dma2 semaphore(%arg28 : memref<!tpu.dma_semaphore, #tpu.memory_space<semaphore_mem>>) src(%dma_wait3A_27 : memref<4x1024xi32, #tpu.memory_space<hbm>>) dst(%arg12 : memref<4x1024xi32, #tpu.memory_space<vmem>>)
    %scan3A_28 = arith.constant 0 : i32
    %scan3A_29 = arith.constant 0 : i32
    %scan3A_30 = arith.constant 64 : i32
    %scan3A_31 = arith.addi %scan3A_29, %scan3A_30 : i32
    %scan3A_32 = arith.constant 1 : i32
    %scan3A_33 = scf.for %scan3A_111 = %scan3A_29 to %scan3A_31 step %scan3A_32 iter_args(%scan3A_112 = %scan3A_28) -> (i32)  : i32 {
      %mul3A_113 = arith.constant 16 : i32
      %mul3A_114 = arith.muli %scan3A_111, %mul3A_113 : i32
      %add3A_115 = vector.broadcast %mul3A_114 : i32 to vector<16xi32>
      %add3A_116 = arith.addi %add3A_115, %iota3A : vector<16xi32>
      %broadcast_in_dim3A_117 = arith.constant 0 : i32
      %broadcast_in_dim3A_118 = vector.broadcast %broadcast_in_dim3A_117 : i32 to vector<16xi32>
      %gather3A = tpu.vector_load_idx %arg12[%broadcast_in_dim3A_118, %add3A_116] : memref<4x1024xi32, #tpu.memory_space<vmem>>[vector<16xi32>, vector<16xi32>], vector<16xi32>,
      %broadcast_in_dim3A_119 = arith.constant 1 : i32
      %broadcast_in_dim3A_120 = vector.broadcast %broadcast_in_dim3A_119 : i32 to vector<16xi32>
      %gather3A_121 = tpu.vector_load_idx %arg12[%broadcast_in_dim3A_120, %add3A_116] : memref<4x1024xi32, #tpu.memory_space<vmem>>[vector<16xi32>, vector<16xi32>], vector<16xi32>,
      %broadcast_in_dim3A_122 = arith.constant 2 : i32
      %broadcast_in_dim3A_123 = vector.broadcast %broadcast_in_dim3A_122 : i32 to vector<16xi32>
      %gather3A_124 = tpu.vector_load_idx %arg12[%broadcast_in_dim3A_123, %add3A_116] : memref<4x1024xi32, #tpu.memory_space<vmem>>[vector<16xi32>, vector<16xi32>], vector<16xi32>,
      %broadcast_in_dim3A_125 = arith.constant 3 : i32
      %broadcast_in_dim3A_126 = vector.broadcast %broadcast_in_dim3A_125 : i32 to vector<16xi32>
      %gather3A_127 = tpu.vector_load_idx %arg12[%broadcast_in_dim3A_126, %add3A_116] : memref<4x1024xi32, #tpu.memory_space<vmem>>[vector<16xi32>, vector<16xi32>], vector<16xi32>,
      %broadcast_in_dim3A_128 = arith.constant 0 : i32
      %broadcast_in_dim3A_129 = vector.broadcast %broadcast_in_dim3A_128 : i32 to vector<16xi32>
      tpu.vector_store_idx %arg22[%broadcast_in_dim3A_129, %add3A_116], %gather3A : memref<4x1024xi32, #tpu.memory_space<vmem>>[vector<16xi32>, vector<16xi32>], vector<16xi32>,
      %broadcast_in_dim3A_130 = arith.constant 1 : i32
      %broadcast_in_dim3A_131 = vector.broadcast %broadcast_in_dim3A_130 : i32 to vector<16xi32>
      tpu.vector_store_idx %arg22[%broadcast_in_dim3A_131, %add3A_116], %gather3A_121 : memref<4x1024xi32, #tpu.memory_space<vmem>>[vector<16xi32>, vector<16xi32>], vector<16xi32>,
      %broadcast_in_dim3A_132 = arith.constant 2 : i32
      %broadcast_in_dim3A_133 = vector.broadcast %broadcast_in_dim3A_132 : i32 to vector<16xi32>
      tpu.vector_store_idx %arg22[%broadcast_in_dim3A_133, %add3A_116], %gather3A_124 : memref<4x1024xi32, #tpu.memory_space<vmem>>[vector<16xi32>, vector<16xi32>], vector<16xi32>,
      %broadcast_in_dim3A_134 = arith.constant 3 : i32
      %broadcast_in_dim3A_135 = vector.broadcast %broadcast_in_dim3A_134 : i32 to vector<16xi32>
      tpu.vector_store_idx %arg22[%broadcast_in_dim3A_135, %add3A_116], %gather3A_127 : memref<4x1024xi32, #tpu.memory_space<vmem>>[vector<16xi32>, vector<16xi32>], vector<16xi32>,
      %add3A_136 = arith.constant 8 : i32
      %add3A_137 = vector.broadcast %add3A_136 : i32 to vector<16xi32>
      %add3A_138 = arith.addi %gather3A_121, %add3A_137 : vector<16xi32>
      %add3A_139 = arith.constant 8 : i32
      %add3A_140 = vector.broadcast %add3A_139 : i32 to vector<16xi32>
      %add3A_141 = arith.addi %gather3A_124, %add3A_140 : vector<16xi32>
      %add3A_142 = arith.constant 8 : i32
      %add3A_143 = vector.broadcast %add3A_142 : i32 to vector<16xi32>
      %add3A_144 = arith.addi %gather3A_127, %add3A_143 : vector<16xi32>
      %mul3A_145 = arith.constant 48 : i32
      %mul3A_146 = vector.broadcast %mul3A_145 : i32 to vector<16xi32>
      %mul3A_147 = arith.muli %gather3A, %mul3A_146 : vector<16xi32>
      %shift_right_arithmetic3A = arith.constant 3 : i32
      %shift_right_arithmetic3A_148 = vector.broadcast %shift_right_arithmetic3A : i32 to vector<16xi32>
      %shift_right_arithmetic3A_149 = arith.shrsi %add3A_144, %shift_right_arithmetic3A_148 : vector<16xi32>
      %mul3A_150 = arith.constant 12 : i32
      %mul3A_151 = vector.broadcast %mul3A_150 : i32 to vector<16xi32>
      %mul3A_152 = arith.muli %shift_right_arithmetic3A_149, %mul3A_151 : vector<16xi32>
      %add3A_153 = arith.addi %mul3A_147, %mul3A_152 : vector<16xi32>
      %shift_right_arithmetic3A_154 = arith.constant 3 : i32
      %shift_right_arithmetic3A_155 = vector.broadcast %shift_right_arithmetic3A_154 : i32 to vector<16xi32>
      %shift_right_arithmetic3A_156 = arith.shrsi %add3A_141, %shift_right_arithmetic3A_155 : vector<16xi32>
      %mul3A_157 = arith.constant 3 : i32
      %mul3A_158 = vector.broadcast %mul3A_157 : i32 to vector<16xi32>
      %mul3A_159 = arith.muli %shift_right_arithmetic3A_156, %mul3A_158 : vector<16xi32>
      %add3A_160 = arith.addi %add3A_153, %mul3A_159 : vector<16xi32>
      %shift_right_arithmetic3A_161 = arith.constant 3 : i32
      %shift_right_arithmetic3A_162 = vector.broadcast %shift_right_arithmetic3A_161 : i32 to vector<16xi32>
      %shift_right_arithmetic3A_163 = arith.shrsi %add3A_138, %shift_right_arithmetic3A_162 : vector<16xi32>
      %add3A_164 = arith.addi %add3A_160, %shift_right_arithmetic3A_163 : vector<16xi32>
      %broadcast_in_dim3A_165 = arith.constant true
      %broadcast_in_dim3A_166 = vector.broadcast %broadcast_in_dim3A_165 : i1 to vector<16xi1>
      %unique3A, %unique3A_167 = tpu.scan_count mask(%broadcast_in_dim3A_166 : vector<16xi1>) value(%add3A_164 : vector<16xi32>) : vector<16xi1>, vector<16xi32>
      %add3A_168 = arith.constant 0 : i32
      %add3A_169 = vector.broadcast %add3A_168 : i32 to vector<16xi32>
      %add3A_170 = arith.addi %add3A_164, %add3A_169 : vector<16xi32>
      %gather3A_171 = tpu.vector_load_idx %arg23[%broadcast_in_dim3A_5, %add3A_170] : memref<1x1536xi32, #tpu.memory_space<vmem>>[vector<16xi32>, vector<16xi32>], vector<16xi32>,
      %add3A_172 = arith.constant 0 : i32
      %add3A_173 = vector.broadcast %add3A_172 : i32 to vector<16xi32>
      %add3A_174 = arith.addi %add3A_164, %add3A_173 : vector<16xi32>
      %add3A_175 = arith.addi %gather3A_171, %unique3A_167 : vector<16xi32>
      tpu.vector_store_idx %arg23[%broadcast_in_dim3A_5, %add3A_174], %add3A_175 masked %unique3A : memref<1x1536xi32, #tpu.memory_space<vmem>>[vector<16xi32>, vector<16xi32>], vector<16xi32>, vector<16xi1>
      tpu.vector_store_idx %arg14[%add3A_116], %add3A_164 : memref<1024xi32, #tpu.memory_space<vmem>>[vector<16xi32>], vector<16xi32>,
      %add3A_176 = arith.addi %gather3A_171, %unique3A_167 : vector<16xi32>
      %sub3A_177 = arith.constant 1 : i32
      %sub3A_178 = vector.broadcast %sub3A_177 : i32 to vector<16xi32>
      %sub3A_179 = arith.subi %add3A_176, %sub3A_178 : vector<16xi32>
      tpu.vector_store_idx %arg16[%add3A_116], %sub3A_179 : memref<1024xi32, #tpu.memory_space<vmem>>[vector<16xi32>], vector<16xi32>,
      %broadcast_in_dim3A_180 = arith.constant 0 : i32
      %broadcast_in_dim3A_181 = vector.broadcast %broadcast_in_dim3A_180 : i32 to vector<16xi32>
      %and3A = arith.constant 7 : i32
      %and3A_182 = vector.broadcast %and3A : i32 to vector<16xi32>
      %and3A_183 = arith.andi %add3A_138, %and3A_182 : vector<16xi32>
      tpu.vector_store_idx %arg20[%broadcast_in_dim3A_181, %add3A_116], %and3A_183 : memref<3x1024xi32, #tpu.memory_space<vmem>>[vector<16xi32>, vector<16xi32>], vector<16xi32>,
      %broadcast_in_dim3A_184 = arith.constant 1 : i32
      %broadcast_in_dim3A_185 = vector.broadcast %broadcast_in_dim3A_184 : i32 to vector<16xi32>
      %and3A_186 = arith.constant 7 : i32
      %and3A_187 = vector.broadcast %and3A_186 : i32 to vector<16xi32>
      %and3A_188 = arith.andi %add3A_141, %and3A_187 : vector<16xi32>
      tpu.vector_store_idx %arg20[%broadcast_in_dim3A_185, %add3A_116], %and3A_188 : memref<3x1024xi32, #tpu.memory_space<vmem>>[vector<16xi32>, vector<16xi32>], vector<16xi32>,
      %broadcast_in_dim3A_189 = arith.constant 2 : i32
      %broadcast_in_dim3A_190 = vector.broadcast %broadcast_in_dim3A_189 : i32 to vector<16xi32>
      %and3A_191 = arith.constant 7 : i32
      %and3A_192 = vector.broadcast %and3A_191 : i32 to vector<16xi32>
      %and3A_193 = arith.andi %add3A_144, %and3A_192 : vector<16xi32>
      tpu.vector_store_idx %arg20[%broadcast_in_dim3A_190, %add3A_116], %and3A_193 : memref<3x1024xi32, #tpu.memory_space<vmem>>[vector<16xi32>, vector<16xi32>], vector<16xi32>,
      %add3A_194 = arith.constant 4 : i32
      %add3A_195 = vector.broadcast %add3A_194 : i32 to vector<16xi32>
      %add3A_196 = arith.addi %gather3A_121, %add3A_195 : vector<16xi32>
      %add3A_197 = arith.constant 4 : i32
      %add3A_198 = vector.broadcast %add3A_197 : i32 to vector<16xi32>
      %add3A_199 = arith.addi %gather3A_124, %add3A_198 : vector<16xi32>
      %add3A_200 = arith.constant 4 : i32
      %add3A_201 = vector.broadcast %add3A_200 : i32 to vector<16xi32>
      %add3A_202 = arith.addi %gather3A_127, %add3A_201 : vector<16xi32>
      %mul3A_203 = arith.constant 48 : i32
      %mul3A_204 = vector.broadcast %mul3A_203 : i32 to vector<16xi32>
      %mul3A_205 = arith.muli %gather3A, %mul3A_204 : vector<16xi32>
      %shift_right_arithmetic3A_206 = arith.constant 3 : i32
      %shift_right_arithmetic3A_207 = vector.broadcast %shift_right_arithmetic3A_206 : i32 to vector<16xi32>
      %shift_right_arithmetic3A_208 = arith.shrsi %add3A_202, %shift_right_arithmetic3A_207 : vector<16xi32>
      %mul3A_209 = arith.constant 12 : i32
      %mul3A_210 = vector.broadcast %mul3A_209 : i32 to vector<16xi32>
      %mul3A_211 = arith.muli %shift_right_arithmetic3A_208, %mul3A_210 : vector<16xi32>
      %add3A_212 = arith.addi %mul3A_205, %mul3A_211 : vector<16xi32>
      %shift_right_arithmetic3A_213 = arith.constant 3 : i32
      %shift_right_arithmetic3A_214 = vector.broadcast %shift_right_arithmetic3A_213 : i32 to vector<16xi32>
      %shift_right_arithmetic3A_215 = arith.shrsi %add3A_199, %shift_right_arithmetic3A_214 : vector<16xi32>
      %mul3A_216 = arith.constant 3 : i32
      %mul3A_217 = vector.broadcast %mul3A_216 : i32 to vector<16xi32>
      %mul3A_218 = arith.muli %shift_right_arithmetic3A_215, %mul3A_217 : vector<16xi32>
      %add3A_219 = arith.addi %add3A_212, %mul3A_218 : vector<16xi32>
      %shift_right_arithmetic3A_220 = arith.constant 3 : i32
      %shift_right_arithmetic3A_221 = vector.broadcast %shift_right_arithmetic3A_220 : i32 to vector<16xi32>
      %shift_right_arithmetic3A_222 = arith.shrsi %add3A_196, %shift_right_arithmetic3A_221 : vector<16xi32>
      %add3A_223 = arith.addi %add3A_219, %shift_right_arithmetic3A_222 : vector<16xi32>
      %broadcast_in_dim3A_224 = arith.constant true
      %broadcast_in_dim3A_225 = vector.broadcast %broadcast_in_dim3A_224 : i1 to vector<16xi1>
      %unique3A_226, %unique3A_227 = tpu.scan_count mask(%broadcast_in_dim3A_225 : vector<16xi1>) value(%add3A_223 : vector<16xi32>) : vector<16xi1>, vector<16xi32>
      %add3A_228 = arith.constant 768 : i32
      %add3A_229 = vector.broadcast %add3A_228 : i32 to vector<16xi32>
      %add3A_230 = arith.addi %add3A_223, %add3A_229 : vector<16xi32>
      %gather3A_231 = tpu.vector_load_idx %arg23[%broadcast_in_dim3A_5, %add3A_230] : memref<1x1536xi32, #tpu.memory_space<vmem>>[vector<16xi32>, vector<16xi32>], vector<16xi32>,
      %add3A_232 = arith.constant 768 : i32
      %add3A_233 = vector.broadcast %add3A_232 : i32 to vector<16xi32>
      %add3A_234 = arith.addi %add3A_223, %add3A_233 : vector<16xi32>
      %add3A_235 = arith.addi %gather3A_231, %unique3A_227 : vector<16xi32>
      tpu.vector_store_idx %arg23[%broadcast_in_dim3A_5, %add3A_234], %add3A_235 masked %unique3A_226 : memref<1x1536xi32, #tpu.memory_space<vmem>>[vector<16xi32>, vector<16xi32>], vector<16xi32>, vector<16xi1>
      tpu.vector_store_idx %arg15[%add3A_116], %add3A_223 : memref<1024xi32, #tpu.memory_space<vmem>>[vector<16xi32>], vector<16xi32>,
      %add3A_236 = arith.addi %gather3A_231, %unique3A_227 : vector<16xi32>
      %sub3A_237 = arith.constant 1 : i32
      %sub3A_238 = vector.broadcast %sub3A_237 : i32 to vector<16xi32>
      %sub3A_239 = arith.subi %add3A_236, %sub3A_238 : vector<16xi32>
      tpu.vector_store_idx %arg17[%add3A_116], %sub3A_239 : memref<1024xi32, #tpu.memory_space<vmem>>[vector<16xi32>], vector<16xi32>,
      %broadcast_in_dim3A_240 = arith.constant 0 : i32
      %broadcast_in_dim3A_241 = vector.broadcast %broadcast_in_dim3A_240 : i32 to vector<16xi32>
      %and3A_242 = arith.constant 7 : i32
      %and3A_243 = vector.broadcast %and3A_242 : i32 to vector<16xi32>
      %and3A_244 = arith.andi %add3A_196, %and3A_243 : vector<16xi32>
      tpu.vector_store_idx %arg21[%broadcast_in_dim3A_241, %add3A_116], %and3A_244 : memref<3x1024xi32, #tpu.memory_space<vmem>>[vector<16xi32>, vector<16xi32>], vector<16xi32>,
      %broadcast_in_dim3A_245 = arith.constant 1 : i32
      %broadcast_in_dim3A_246 = vector.broadcast %broadcast_in_dim3A_245 : i32 to vector<16xi32>
      %and3A_247 = arith.constant 7 : i32
      %and3A_248 = vector.broadcast %and3A_247 : i32 to vector<16xi32>
      %and3A_249 = arith.andi %add3A_199, %and3A_248 : vector<16xi32>
      tpu.vector_store_idx %arg21[%broadcast_in_dim3A_246, %add3A_116], %and3A_249 : memref<3x1024xi32, #tpu.memory_space<vmem>>[vector<16xi32>, vector<16xi32>], vector<16xi32>,
      %broadcast_in_dim3A_250 = arith.constant 2 : i32
      %broadcast_in_dim3A_251 = vector.broadcast %broadcast_in_dim3A_250 : i32 to vector<16xi32>
      %and3A_252 = arith.constant 7 : i32
      %and3A_253 = vector.broadcast %and3A_252 : i32 to vector<16xi32>
      %and3A_254 = arith.andi %add3A_202, %and3A_253 : vector<16xi32>
      tpu.vector_store_idx %arg21[%broadcast_in_dim3A_251, %add3A_116], %and3A_254 : memref<3x1024xi32, #tpu.memory_space<vmem>>[vector<16xi32>, vector<16xi32>], vector<16xi32>,
      %scan3A_255 = arith.constant 0 : i32
      scf.yield %scan3A_255 : i32
    }
    %scan3A_34 = arith.constant 64 : i32
    "tpu.region"() ({
      %run_scoped3A_111 = tpu.sem_alloc : memref<!tpu.dma_semaphore, #tpu.memory_space<semaphore_mem>>
      %dma_start3A_112 = arith.constant 0 : i32
      %dma_start3A_113 = arith.constant 0 : i32
      %dma_start3A_114 = tpu.memref_slice %arg31[%add3A, %dma_start3A_112, %dma_start3A_113] : memref<32x1x1536xi32, #tpu.memory_space<vmem_shared>> -> memref<1x1x1536xi32, #tpu.memory_space<vmem_shared>>
      %dma_start3A_115 = tpu.memref_squeeze %dma_start3A_114 : memref<1x1x1536xi32, #tpu.memory_space<vmem_shared>> -> memref<1x1536xi32, #tpu.memory_space<vmem_shared>>
      %dma_start3A_116 = arith.constant 0 : i32
      %dma_start3A_117 = arith.constant 0 : i32
      %dma_start3A_118 = tpu.memref_slice %arg31[%add3A, %dma_start3A_116, %dma_start3A_117] : memref<32x1x1536xi32, #tpu.memory_space<vmem_shared>> -> memref<1x1x1536xi32, #tpu.memory_space<vmem_shared>>
      %dma_start3A_119 = tpu.memref_squeeze %dma_start3A_118 : memref<1x1x1536xi32, #tpu.memory_space<vmem_shared>> -> memref<1x1536xi32, #tpu.memory_space<vmem_shared>>
      tpu.enqueue_dma source(%arg23 : memref<1x1536xi32, #tpu.memory_space<vmem>>) target(%dma_start3A_119 : memref<1x1536xi32, #tpu.memory_space<vmem_shared>>) target_semaphore(%run_scoped3A_111 : memref<!tpu.dma_semaphore, #tpu.memory_space<semaphore_mem>>)
      %dma_wait3A_120 = arith.constant 0 : i32
      %dma_wait3A_121 = arith.constant 0 : i32
      %dma_wait3A_122 = tpu.memref_slice %arg31[%add3A, %dma_wait3A_120, %dma_wait3A_121] : memref<32x1x1536xi32, #tpu.memory_space<vmem_shared>> -> memref<1x1x1536xi32, #tpu.memory_space<vmem_shared>>
      %dma_wait3A_123 = tpu.memref_squeeze %dma_wait3A_122 : memref<1x1x1536xi32, #tpu.memory_space<vmem_shared>> -> memref<1x1536xi32, #tpu.memory_space<vmem_shared>>
      %dma_wait3A_124 = arith.constant 0 : i32
      %dma_wait3A_125 = arith.constant 0 : i32
      %dma_wait3A_126 = tpu.memref_slice %arg31[%add3A, %dma_wait3A_124, %dma_wait3A_125] : memref<32x1x1536xi32, #tpu.memory_space<vmem_shared>> -> memref<1x1x1536xi32, #tpu.memory_space<vmem_shared>>
      %dma_wait3A_127 = tpu.memref_squeeze %dma_wait3A_126 : memref<1x1x1536xi32, #tpu.memory_space<vmem_shared>> -> memref<1x1536xi32, #tpu.memory_space<vmem_shared>>
      tpu.wait_dma2 semaphore(%run_scoped3A_111 : memref<!tpu.dma_semaphore, #tpu.memory_space<semaphore_mem>>) src(%arg23 : memref<1x1536xi32, #tpu.memory_space<vmem>>) dst(%dma_wait3A_127 : memref<1x1536xi32, #tpu.memory_space<vmem_shared>>)
      tpu.yield
    }) : () -> ()
    %dma_start3A_35 = tpu.memref_slice %arg3[%mul3A_18] : memref<32768xi32, #tpu.memory_space<hbm>> -> memref<1024xi32, #tpu.memory_space<hbm>>
    %dma_start3A_36 = tpu.memref_slice %arg3[%mul3A_18] : memref<32768xi32, #tpu.memory_space<hbm>> -> memref<1024xi32, #tpu.memory_space<hbm>>
    tpu.enqueue_dma source(%arg14 : memref<1024xi32, #tpu.memory_space<vmem>>) target(%dma_start3A_36 : memref<1024xi32, #tpu.memory_space<hbm>>) target_semaphore(%arg30 : memref<!tpu.dma_semaphore, #tpu.memory_space<semaphore_mem>>)
    %dma_start3A_37 = tpu.memref_slice %arg5[%mul3A_18] : memref<32768xi32, #tpu.memory_space<hbm>> -> memref<1024xi32, #tpu.memory_space<hbm>>
    %dma_start3A_38 = tpu.memref_slice %arg5[%mul3A_18] : memref<32768xi32, #tpu.memory_space<hbm>> -> memref<1024xi32, #tpu.memory_space<hbm>>
    tpu.enqueue_dma source(%arg15 : memref<1024xi32, #tpu.memory_space<vmem>>) target(%dma_start3A_38 : memref<1024xi32, #tpu.memory_space<hbm>>) target_semaphore(%arg30 : memref<!tpu.dma_semaphore, #tpu.memory_space<semaphore_mem>>)
    %dma_start3A_39 = arith.constant 0 : i32
    %dma_start3A_40 = tpu.memref_slice %arg4[%dma_start3A_39, %mul3A_18] : memref<3x32768xi32, #tpu.memory_space<hbm>> -> memref<3x1024xi32, #tpu.memory_space<hbm>>
    %dma_start3A_41 = arith.constant 0 : i32
    %dma_start3A_42 = tpu.memref_slice %arg4[%dma_start3A_41, %mul3A_18] : memref<3x32768xi32, #tpu.memory_space<hbm>> -> memref<3x1024xi32, #tpu.memory_space<hbm>>
    tpu.enqueue_dma source(%arg20 : memref<3x1024xi32, #tpu.memory_space<vmem>>) target(%dma_start3A_42 : memref<3x1024xi32, #tpu.memory_space<hbm>>) target_semaphore(%arg30 : memref<!tpu.dma_semaphore, #tpu.memory_space<semaphore_mem>>)
    %dma_start3A_43 = arith.constant 0 : i32
    %dma_start3A_44 = tpu.memref_slice %arg6[%dma_start3A_43, %mul3A_18] : memref<3x32768xi32, #tpu.memory_space<hbm>> -> memref<3x1024xi32, #tpu.memory_space<hbm>>
    %dma_start3A_45 = arith.constant 0 : i32
    %dma_start3A_46 = tpu.memref_slice %arg6[%dma_start3A_45, %mul3A_18] : memref<3x32768xi32, #tpu.memory_space<hbm>> -> memref<3x1024xi32, #tpu.memory_space<hbm>>
    tpu.enqueue_dma source(%arg21 : memref<3x1024xi32, #tpu.memory_space<vmem>>) target(%dma_start3A_46 : memref<3x1024xi32, #tpu.memory_space<hbm>>) target_semaphore(%arg30 : memref<!tpu.dma_semaphore, #tpu.memory_space<semaphore_mem>>)
    %dma_start3A_47 = arith.constant 0 : i32
    %dma_start3A_48 = tpu.memref_slice %arg11[%dma_start3A_47, %mul3A_18] : memref<4x32768xi32, #tpu.memory_space<hbm>> -> memref<4x1024xi32, #tpu.memory_space<hbm>>
    %dma_start3A_49 = arith.constant 0 : i32
    %dma_start3A_50 = tpu.memref_slice %arg11[%dma_start3A_49, %mul3A_18] : memref<4x32768xi32, #tpu.memory_space<hbm>> -> memref<4x1024xi32, #tpu.memory_space<hbm>>
    tpu.enqueue_dma source(%arg22 : memref<4x1024xi32, #tpu.memory_space<vmem>>) target(%dma_start3A_50 : memref<4x1024xi32, #tpu.memory_space<hbm>>) target_semaphore(%arg30 : memref<!tpu.dma_semaphore, #tpu.memory_space<semaphore_mem>>)
    %scan3A_51 = arith.constant 0 : i32
    %scan3A_52 = arith.constant 0 : i32
    %scan3A_53 = arith.constant 96 : i32
    %scan3A_54 = arith.addi %scan3A_52, %scan3A_53 : i32
    %scan3A_55 = arith.constant 1 : i32
    %scan3A_56 = scf.for %scan3A_111 = %scan3A_52 to %scan3A_54 step %scan3A_55 iter_args(%scan3A_112 = %scan3A_51) -> (i32)  : i32 {
      %mul3A_113 = arith.constant 16 : i32
      %mul3A_114 = arith.muli %scan3A_111, %mul3A_113 : i32
      %add3A_115 = vector.broadcast %mul3A_114 : i32 to vector<16xi32>
      %add3A_116 = arith.addi %add3A_115, %iota3A : vector<16xi32>
      tpu.vector_store_idx %arg23[%broadcast_in_dim3A_5, %add3A_116], %broadcast_in_dim3A_5 : memref<1x1536xi32, #tpu.memory_space<vmem>>[vector<16xi32>, vector<16xi32>], vector<16xi32>,
      %scan3A_117 = arith.constant 0 : i32
      scf.yield %scan3A_117 : i32
    }
    %scan3A_57 = arith.constant 96 : i32
    %dma_wait3A_58 = arith.constant 0 : i32
    %dma_wait3A_59 = tpu.memref_slice %arg2[%dma_wait3A_58, %mul3A_12] : memref<4x32768xi32, #tpu.memory_space<hbm>> -> memref<4x1024xi32, #tpu.memory_space<hbm>>
    %dma_wait3A_60 = arith.constant 0 : i32
    %dma_wait3A_61 = tpu.memref_slice %arg2[%dma_wait3A_60, %mul3A_12] : memref<4x32768xi32, #tpu.memory_space<hbm>> -> memref<4x1024xi32, #tpu.memory_space<hbm>>
    tpu.wait_dma2 semaphore(%arg29 : memref<!tpu.dma_semaphore, #tpu.memory_space<semaphore_mem>>) src(%dma_wait3A_61 : memref<4x1024xi32, #tpu.memory_space<hbm>>) dst(%arg13 : memref<4x1024xi32, #tpu.memory_space<vmem>>)
    %scan3A_62 = arith.constant 0 : i32
    %scan3A_63 = arith.constant 0 : i32
    %scan3A_64 = arith.constant 64 : i32
    %scan3A_65 = arith.addi %scan3A_63, %scan3A_64 : i32
    %scan3A_66 = arith.constant 1 : i32
    %scan3A_67 = scf.for %scan3A_111 = %scan3A_63 to %scan3A_65 step %scan3A_66 iter_args(%scan3A_112 = %scan3A_62) -> (i32)  : i32 {
      %mul3A_113 = arith.constant 16 : i32
      %mul3A_114 = arith.muli %scan3A_111, %mul3A_113 : i32
      %add3A_115 = vector.broadcast %mul3A_114 : i32 to vector<16xi32>
      %add3A_116 = arith.addi %add3A_115, %iota3A : vector<16xi32>
      %broadcast_in_dim3A_117 = arith.constant 0 : i32
      %broadcast_in_dim3A_118 = vector.broadcast %broadcast_in_dim3A_117 : i32 to vector<16xi32>
      %gather3A = tpu.vector_load_idx %arg13[%broadcast_in_dim3A_118, %add3A_116] : memref<4x1024xi32, #tpu.memory_space<vmem>>[vector<16xi32>, vector<16xi32>], vector<16xi32>,
      %broadcast_in_dim3A_119 = arith.constant 1 : i32
      %broadcast_in_dim3A_120 = vector.broadcast %broadcast_in_dim3A_119 : i32 to vector<16xi32>
      %gather3A_121 = tpu.vector_load_idx %arg13[%broadcast_in_dim3A_120, %add3A_116] : memref<4x1024xi32, #tpu.memory_space<vmem>>[vector<16xi32>, vector<16xi32>], vector<16xi32>,
      %broadcast_in_dim3A_122 = arith.constant 2 : i32
      %broadcast_in_dim3A_123 = vector.broadcast %broadcast_in_dim3A_122 : i32 to vector<16xi32>
      %gather3A_124 = tpu.vector_load_idx %arg13[%broadcast_in_dim3A_123, %add3A_116] : memref<4x1024xi32, #tpu.memory_space<vmem>>[vector<16xi32>, vector<16xi32>], vector<16xi32>,
      %broadcast_in_dim3A_125 = arith.constant 3 : i32
      %broadcast_in_dim3A_126 = vector.broadcast %broadcast_in_dim3A_125 : i32 to vector<16xi32>
      %gather3A_127 = tpu.vector_load_idx %arg13[%broadcast_in_dim3A_126, %add3A_116] : memref<4x1024xi32, #tpu.memory_space<vmem>>[vector<16xi32>, vector<16xi32>], vector<16xi32>,
      %add3A_128 = arith.constant 8 : i32
      %add3A_129 = vector.broadcast %add3A_128 : i32 to vector<16xi32>
      %add3A_130 = arith.addi %gather3A_121, %add3A_129 : vector<16xi32>
      %add3A_131 = arith.constant 8 : i32
      %add3A_132 = vector.broadcast %add3A_131 : i32 to vector<16xi32>
      %add3A_133 = arith.addi %gather3A_124, %add3A_132 : vector<16xi32>
      %add3A_134 = arith.constant 8 : i32
      %add3A_135 = vector.broadcast %add3A_134 : i32 to vector<16xi32>
      %add3A_136 = arith.addi %gather3A_127, %add3A_135 : vector<16xi32>
      %mul3A_137 = arith.constant 48 : i32
      %mul3A_138 = vector.broadcast %mul3A_137 : i32 to vector<16xi32>
      %mul3A_139 = arith.muli %gather3A, %mul3A_138 : vector<16xi32>
      %shift_right_arithmetic3A = arith.constant 3 : i32
      %shift_right_arithmetic3A_140 = vector.broadcast %shift_right_arithmetic3A : i32 to vector<16xi32>
      %shift_right_arithmetic3A_141 = arith.shrsi %add3A_136, %shift_right_arithmetic3A_140 : vector<16xi32>
      %mul3A_142 = arith.constant 12 : i32
      %mul3A_143 = vector.broadcast %mul3A_142 : i32 to vector<16xi32>
      %mul3A_144 = arith.muli %shift_right_arithmetic3A_141, %mul3A_143 : vector<16xi32>
      %add3A_145 = arith.addi %mul3A_139, %mul3A_144 : vector<16xi32>
      %shift_right_arithmetic3A_146 = arith.constant 3 : i32
      %shift_right_arithmetic3A_147 = vector.broadcast %shift_right_arithmetic3A_146 : i32 to vector<16xi32>
      %shift_right_arithmetic3A_148 = arith.shrsi %add3A_133, %shift_right_arithmetic3A_147 : vector<16xi32>
      %mul3A_149 = arith.constant 3 : i32
      %mul3A_150 = vector.broadcast %mul3A_149 : i32 to vector<16xi32>
      %mul3A_151 = arith.muli %shift_right_arithmetic3A_148, %mul3A_150 : vector<16xi32>
      %add3A_152 = arith.addi %add3A_145, %mul3A_151 : vector<16xi32>
      %shift_right_arithmetic3A_153 = arith.constant 3 : i32
      %shift_right_arithmetic3A_154 = vector.broadcast %shift_right_arithmetic3A_153 : i32 to vector<16xi32>
      %shift_right_arithmetic3A_155 = arith.shrsi %add3A_130, %shift_right_arithmetic3A_154 : vector<16xi32>
      %add3A_156 = arith.addi %add3A_152, %shift_right_arithmetic3A_155 : vector<16xi32>
      %broadcast_in_dim3A_157 = arith.constant true
      %broadcast_in_dim3A_158 = vector.broadcast %broadcast_in_dim3A_157 : i1 to vector<16xi1>
      %unique3A, %unique3A_159 = tpu.scan_count mask(%broadcast_in_dim3A_158 : vector<16xi1>) value(%add3A_156 : vector<16xi32>) : vector<16xi1>, vector<16xi32>
      %add3A_160 = arith.constant 0 : i32
      %add3A_161 = vector.broadcast %add3A_160 : i32 to vector<16xi32>
      %add3A_162 = arith.addi %add3A_156, %add3A_161 : vector<16xi32>
      %gather3A_163 = tpu.vector_load_idx %arg23[%broadcast_in_dim3A_5, %add3A_162] : memref<1x1536xi32, #tpu.memory_space<vmem>>[vector<16xi32>, vector<16xi32>], vector<16xi32>,
      %add3A_164 = arith.constant 0 : i32
      %add3A_165 = vector.broadcast %add3A_164 : i32 to vector<16xi32>
      %add3A_166 = arith.addi %add3A_156, %add3A_165 : vector<16xi32>
      %add3A_167 = arith.addi %gather3A_163, %unique3A_159 : vector<16xi32>
      tpu.vector_store_idx %arg23[%broadcast_in_dim3A_5, %add3A_166], %add3A_167 masked %unique3A : memref<1x1536xi32, #tpu.memory_space<vmem>>[vector<16xi32>, vector<16xi32>], vector<16xi32>, vector<16xi1>
      %add3A_168 = arith.constant 4 : i32
      %add3A_169 = vector.broadcast %add3A_168 : i32 to vector<16xi32>
      %add3A_170 = arith.addi %gather3A_121, %add3A_169 : vector<16xi32>
      %add3A_171 = arith.constant 4 : i32
      %add3A_172 = vector.broadcast %add3A_171 : i32 to vector<16xi32>
      %add3A_173 = arith.addi %gather3A_124, %add3A_172 : vector<16xi32>
      %add3A_174 = arith.constant 4 : i32
      %add3A_175 = vector.broadcast %add3A_174 : i32 to vector<16xi32>
      %add3A_176 = arith.addi %gather3A_127, %add3A_175 : vector<16xi32>
      %mul3A_177 = arith.constant 48 : i32
      %mul3A_178 = vector.broadcast %mul3A_177 : i32 to vector<16xi32>
      %mul3A_179 = arith.muli %gather3A, %mul3A_178 : vector<16xi32>
      %shift_right_arithmetic3A_180 = arith.constant 3 : i32
      %shift_right_arithmetic3A_181 = vector.broadcast %shift_right_arithmetic3A_180 : i32 to vector<16xi32>
      %shift_right_arithmetic3A_182 = arith.shrsi %add3A_176, %shift_right_arithmetic3A_181 : vector<16xi32>
      %mul3A_183 = arith.constant 12 : i32
      %mul3A_184 = vector.broadcast %mul3A_183 : i32 to vector<16xi32>
      %mul3A_185 = arith.muli %shift_right_arithmetic3A_182, %mul3A_184 : vector<16xi32>
      %add3A_186 = arith.addi %mul3A_179, %mul3A_185 : vector<16xi32>
      %shift_right_arithmetic3A_187 = arith.constant 3 : i32
      %shift_right_arithmetic3A_188 = vector.broadcast %shift_right_arithmetic3A_187 : i32 to vector<16xi32>
      %shift_right_arithmetic3A_189 = arith.shrsi %add3A_173, %shift_right_arithmetic3A_188 : vector<16xi32>
      %mul3A_190 = arith.constant 3 : i32
      %mul3A_191 = vector.broadcast %mul3A_190 : i32 to vector<16xi32>
      %mul3A_192 = arith.muli %shift_right_arithmetic3A_189, %mul3A_191 : vector<16xi32>
      %add3A_193 = arith.addi %add3A_186, %mul3A_192 : vector<16xi32>
      %shift_right_arithmetic3A_194 = arith.constant 3 : i32
      %shift_right_arithmetic3A_195 = vector.broadcast %shift_right_arithmetic3A_194 : i32 to vector<16xi32>
      %shift_right_arithmetic3A_196 = arith.shrsi %add3A_170, %shift_right_arithmetic3A_195 : vector<16xi32>
      %add3A_197 = arith.addi %add3A_193, %shift_right_arithmetic3A_196 : vector<16xi32>
      %broadcast_in_dim3A_198 = arith.constant true
      %broadcast_in_dim3A_199 = vector.broadcast %broadcast_in_dim3A_198 : i1 to vector<16xi1>
      %unique3A_200, %unique3A_201 = tpu.scan_count mask(%broadcast_in_dim3A_199 : vector<16xi1>) value(%add3A_197 : vector<16xi32>) : vector<16xi1>, vector<16xi32>
      %add3A_202 = arith.constant 768 : i32
      %add3A_203 = vector.broadcast %add3A_202 : i32 to vector<16xi32>
      %add3A_204 = arith.addi %add3A_197, %add3A_203 : vector<16xi32>
      %gather3A_205 = tpu.vector_load_idx %arg23[%broadcast_in_dim3A_5, %add3A_204] : memref<1x1536xi32, #tpu.memory_space<vmem>>[vector<16xi32>, vector<16xi32>], vector<16xi32>,
      %add3A_206 = arith.constant 768 : i32
      %add3A_207 = vector.broadcast %add3A_206 : i32 to vector<16xi32>
      %add3A_208 = arith.addi %add3A_197, %add3A_207 : vector<16xi32>
      %add3A_209 = arith.addi %gather3A_205, %unique3A_201 : vector<16xi32>
      tpu.vector_store_idx %arg23[%broadcast_in_dim3A_5, %add3A_208], %add3A_209 masked %unique3A_200 : memref<1x1536xi32, #tpu.memory_space<vmem>>[vector<16xi32>, vector<16xi32>], vector<16xi32>, vector<16xi1>
      %scan3A_210 = arith.constant 0 : i32
      scf.yield %scan3A_210 : i32
    }
    %scan3A_68 = arith.constant 64 : i32
    "tpu.region"() ({
      %run_scoped3A_111 = tpu.sem_alloc : memref<!tpu.dma_semaphore, #tpu.memory_space<semaphore_mem>>
      %dma_start3A_112 = arith.constant 0 : i32
      %dma_start3A_113 = arith.constant 0 : i32
      %dma_start3A_114 = tpu.memref_slice %arg31[%add3A_4, %dma_start3A_112, %dma_start3A_113] : memref<32x1x1536xi32, #tpu.memory_space<vmem_shared>> -> memref<1x1x1536xi32, #tpu.memory_space<vmem_shared>>
      %dma_start3A_115 = tpu.memref_squeeze %dma_start3A_114 : memref<1x1x1536xi32, #tpu.memory_space<vmem_shared>> -> memref<1x1536xi32, #tpu.memory_space<vmem_shared>>
      %dma_start3A_116 = arith.constant 0 : i32
      %dma_start3A_117 = arith.constant 0 : i32
      %dma_start3A_118 = tpu.memref_slice %arg31[%add3A_4, %dma_start3A_116, %dma_start3A_117] : memref<32x1x1536xi32, #tpu.memory_space<vmem_shared>> -> memref<1x1x1536xi32, #tpu.memory_space<vmem_shared>>
      %dma_start3A_119 = tpu.memref_squeeze %dma_start3A_118 : memref<1x1x1536xi32, #tpu.memory_space<vmem_shared>> -> memref<1x1536xi32, #tpu.memory_space<vmem_shared>>
      tpu.enqueue_dma source(%arg23 : memref<1x1536xi32, #tpu.memory_space<vmem>>) target(%dma_start3A_119 : memref<1x1536xi32, #tpu.memory_space<vmem_shared>>) target_semaphore(%run_scoped3A_111 : memref<!tpu.dma_semaphore, #tpu.memory_space<semaphore_mem>>)
      %dma_wait3A_120 = arith.constant 0 : i32
      %dma_wait3A_121 = arith.constant 0 : i32
      %dma_wait3A_122 = tpu.memref_slice %arg31[%add3A_4, %dma_wait3A_120, %dma_wait3A_121] : memref<32x1x1536xi32, #tpu.memory_space<vmem_shared>> -> memref<1x1x1536xi32, #tpu.memory_space<vmem_shared>>
      %dma_wait3A_123 = tpu.memref_squeeze %dma_wait3A_122 : memref<1x1x1536xi32, #tpu.memory_space<vmem_shared>> -> memref<1x1536xi32, #tpu.memory_space<vmem_shared>>
      %dma_wait3A_124 = arith.constant 0 : i32
      %dma_wait3A_125 = arith.constant 0 : i32
      %dma_wait3A_126 = tpu.memref_slice %arg31[%add3A_4, %dma_wait3A_124, %dma_wait3A_125] : memref<32x1x1536xi32, #tpu.memory_space<vmem_shared>> -> memref<1x1x1536xi32, #tpu.memory_space<vmem_shared>>
      %dma_wait3A_127 = tpu.memref_squeeze %dma_wait3A_126 : memref<1x1x1536xi32, #tpu.memory_space<vmem_shared>> -> memref<1x1536xi32, #tpu.memory_space<vmem_shared>>
      tpu.wait_dma2 semaphore(%run_scoped3A_111 : memref<!tpu.dma_semaphore, #tpu.memory_space<semaphore_mem>>) src(%arg23 : memref<1x1536xi32, #tpu.memory_space<vmem>>) dst(%dma_wait3A_127 : memref<1x1536xi32, #tpu.memory_space<vmem_shared>>)
      tpu.yield
    }) : () -> ()
    %barrier3A = arith.constant 0 : index
    tpu.barrier barrier_id(%barrier3A)
    %lt3A = arith.constant 12 : i32
    %lt3A_69 = arith.cmpi slt, %arg1, %lt3A : i32
    %convert_element_type3A = arith.extui %lt3A_69 : i1 to i32
    %cond3A = arith.constant 0 : i32
    %cond3A_70 = arith.cmpi ne, %convert_element_type3A, %cond3A : i32
    scf.if %cond3A_70 {
      %mul3A_111 = arith.constant 128 : i32
      %mul3A_112 = arith.muli %arg1, %mul3A_111 : i32
      %run_scoped3A_113 = arith.constant 0 : i32
      "tpu.region"() ({
        %run_scoped3A_179 = tpu.sem_alloc : memref<!tpu.dma_semaphore, #tpu.memory_space<semaphore_mem>>
        %dma_start3A_180 = arith.constant 0 : i32
        %dma_start3A_181 = tpu.memref_slice %arg31[%dma_start3A_180, %run_scoped3A_113, %mul3A_112] : memref<32x1x1536xi32, #tpu.memory_space<vmem_shared>> -> memref<32x1x128xi32, #tpu.memory_space<vmem_shared>>
        %dma_start3A_182 = tpu.memref_squeeze %dma_start3A_181 : memref<32x1x128xi32, #tpu.memory_space<vmem_shared>> -> memref<32x128xi32, #tpu.memory_space<vmem_shared>>
        %dma_start3A_183 = arith.constant 0 : i32
        %dma_start3A_184 = tpu.memref_slice %arg31[%dma_start3A_183, %run_scoped3A_113, %mul3A_112] : memref<32x1x1536xi32, #tpu.memory_space<vmem_shared>> -> memref<32x1x128xi32, #tpu.memory_space<vmem_shared>>
        %dma_start3A_185 = tpu.memref_squeeze %dma_start3A_184 : memref<32x1x128xi32, #tpu.memory_space<vmem_shared>> -> memref<32x128xi32, #tpu.memory_space<vmem_shared>>
        tpu.enqueue_dma source(%dma_start3A_185 : memref<32x128xi32, #tpu.memory_space<vmem_shared>>) target(%arg24 : memref<32x128xi32, #tpu.memory_space<vmem>>) target_semaphore(%run_scoped3A_179 : memref<!tpu.dma_semaphore, #tpu.memory_space<semaphore_mem>>)
        %dma_wait3A_186 = arith.constant 0 : i32
        %dma_wait3A_187 = tpu.memref_slice %arg31[%dma_wait3A_186, %run_scoped3A_113, %mul3A_112] : memref<32x1x1536xi32, #tpu.memory_space<vmem_shared>> -> memref<32x1x128xi32, #tpu.memory_space<vmem_shared>>
        %dma_wait3A_188 = tpu.memref_squeeze %dma_wait3A_187 : memref<32x1x128xi32, #tpu.memory_space<vmem_shared>> -> memref<32x128xi32, #tpu.memory_space<vmem_shared>>
        %dma_wait3A_189 = arith.constant 0 : i32
        %dma_wait3A_190 = tpu.memref_slice %arg31[%dma_wait3A_189, %run_scoped3A_113, %mul3A_112] : memref<32x1x1536xi32, #tpu.memory_space<vmem_shared>> -> memref<32x1x128xi32, #tpu.memory_space<vmem_shared>>
        %dma_wait3A_191 = tpu.memref_squeeze %dma_wait3A_190 : memref<32x1x128xi32, #tpu.memory_space<vmem_shared>> -> memref<32x128xi32, #tpu.memory_space<vmem_shared>>
        tpu.wait_dma2 semaphore(%run_scoped3A_179 : memref<!tpu.dma_semaphore, #tpu.memory_space<semaphore_mem>>) src(%dma_wait3A_191 : memref<32x128xi32, #tpu.memory_space<vmem_shared>>) dst(%arg24 : memref<32x128xi32, #tpu.memory_space<vmem>>)
        tpu.yield
      }) : () -> ()
      %broadcast_in_dim3A_114 = arith.constant 0 : i32
      %broadcast_in_dim3A_115 = vector.broadcast %broadcast_in_dim3A_114 : i32 to vector<16xi32>
      %broadcast_in_dim3A_116 = arith.constant 0 : i32
      %broadcast_in_dim3A_117 = vector.broadcast %broadcast_in_dim3A_116 : i32 to vector<16xi32>
      %broadcast_in_dim3A_118 = arith.constant 0 : i32
      %broadcast_in_dim3A_119 = vector.broadcast %broadcast_in_dim3A_118 : i32 to vector<16xi32>
      %broadcast_in_dim3A_120 = arith.constant 0 : i32
      %broadcast_in_dim3A_121 = vector.broadcast %broadcast_in_dim3A_120 : i32 to vector<16xi32>
      %broadcast_in_dim3A_122 = arith.constant 0 : i32
      %broadcast_in_dim3A_123 = vector.broadcast %broadcast_in_dim3A_122 : i32 to vector<16xi32>
      %broadcast_in_dim3A_124 = arith.constant 0 : i32
      %broadcast_in_dim3A_125 = vector.broadcast %broadcast_in_dim3A_124 : i32 to vector<16xi32>
      %broadcast_in_dim3A_126 = arith.constant 0 : i32
      %broadcast_in_dim3A_127 = vector.broadcast %broadcast_in_dim3A_126 : i32 to vector<16xi32>
      %broadcast_in_dim3A_128 = arith.constant 0 : i32
      %broadcast_in_dim3A_129 = vector.broadcast %broadcast_in_dim3A_128 : i32 to vector<16xi32>
      %scan3A_130 = arith.constant 0 : i32
      %scan3A_131 = arith.constant 32 : i32
      %scan3A_132 = arith.addi %scan3A_130, %scan3A_131 : i32
      %scan3A_133 = arith.constant 1 : i32
      %scan3A_134:8 = scf.for %scan3A_179 = %scan3A_130 to %scan3A_132 step %scan3A_133 iter_args(%scan3A_180 = %broadcast_in_dim3A_115, %scan3A_181 = %broadcast_in_dim3A_117, %scan3A_182 = %broadcast_in_dim3A_119, %scan3A_183 = %broadcast_in_dim3A_121, %scan3A_184 = %broadcast_in_dim3A_123, %scan3A_185 = %broadcast_in_dim3A_125, %scan3A_186 = %broadcast_in_dim3A_127, %scan3A_187 = %broadcast_in_dim3A_129) -> (vector<16xi32>, vector<16xi32>, vector<16xi32>, vector<16xi32>, vector<16xi32>, vector<16xi32>, vector<16xi32>, vector<16xi32>)  : i32 {
        %broadcast_in_dim3A_188 = vector.broadcast %scan3A_179 : i32 to vector<16xi32>
        %add3A_189 = arith.constant 0 : i32
        %add3A_190 = vector.broadcast %add3A_189 : i32 to vector<16xi32>
        %add3A_191 = arith.addi %add3A_190, %iota3A : vector<16xi32>
        tpu.vector_store_idx %arg25[%broadcast_in_dim3A_188, %add3A_191], %scan3A_180 : memref<33x128xi32, #tpu.memory_space<vmem>>[vector<16xi32>, vector<16xi32>], vector<16xi32>,
        %gather3A = tpu.vector_load_idx %arg24[%broadcast_in_dim3A_188, %add3A_191] : memref<32x128xi32, #tpu.memory_space<vmem>>[vector<16xi32>, vector<16xi32>], vector<16xi32>,
        %add3A_192 = arith.addi %scan3A_180, %gather3A : vector<16xi32>
        %add3A_193 = arith.constant 16 : i32
        %add3A_194 = vector.broadcast %add3A_193 : i32 to vector<16xi32>
        %add3A_195 = arith.addi %add3A_194, %iota3A : vector<16xi32>
        tpu.vector_store_idx %arg25[%broadcast_in_dim3A_188, %add3A_195], %scan3A_181 : memref<33x128xi32, #tpu.memory_space<vmem>>[vector<16xi32>, vector<16xi32>], vector<16xi32>,
        %gather3A_196 = tpu.vector_load_idx %arg24[%broadcast_in_dim3A_188, %add3A_195] : memref<32x128xi32, #tpu.memory_space<vmem>>[vector<16xi32>, vector<16xi32>], vector<16xi32>,
        %add3A_197 = arith.addi %scan3A_181, %gather3A_196 : vector<16xi32>
        %add3A_198 = arith.constant 32 : i32
        %add3A_199 = vector.broadcast %add3A_198 : i32 to vector<16xi32>
        %add3A_200 = arith.addi %add3A_199, %iota3A : vector<16xi32>
        tpu.vector_store_idx %arg25[%broadcast_in_dim3A_188, %add3A_200], %scan3A_182 : memref<33x128xi32, #tpu.memory_space<vmem>>[vector<16xi32>, vector<16xi32>], vector<16xi32>,
        %gather3A_201 = tpu.vector_load_idx %arg24[%broadcast_in_dim3A_188, %add3A_200] : memref<32x128xi32, #tpu.memory_space<vmem>>[vector<16xi32>, vector<16xi32>], vector<16xi32>,
        %add3A_202 = arith.addi %scan3A_182, %gather3A_201 : vector<16xi32>
        %add3A_203 = arith.constant 48 : i32
        %add3A_204 = vector.broadcast %add3A_203 : i32 to vector<16xi32>
        %add3A_205 = arith.addi %add3A_204, %iota3A : vector<16xi32>
        tpu.vector_store_idx %arg25[%broadcast_in_dim3A_188, %add3A_205], %scan3A_183 : memref<33x128xi32, #tpu.memory_space<vmem>>[vector<16xi32>, vector<16xi32>], vector<16xi32>,
        %gather3A_206 = tpu.vector_load_idx %arg24[%broadcast_in_dim3A_188, %add3A_205] : memref<32x128xi32, #tpu.memory_space<vmem>>[vector<16xi32>, vector<16xi32>], vector<16xi32>,
        %add3A_207 = arith.addi %scan3A_183, %gather3A_206 : vector<16xi32>
        %add3A_208 = arith.constant 64 : i32
        %add3A_209 = vector.broadcast %add3A_208 : i32 to vector<16xi32>
        %add3A_210 = arith.addi %add3A_209, %iota3A : vector<16xi32>
        tpu.vector_store_idx %arg25[%broadcast_in_dim3A_188, %add3A_210], %scan3A_184 : memref<33x128xi32, #tpu.memory_space<vmem>>[vector<16xi32>, vector<16xi32>], vector<16xi32>,
        %gather3A_211 = tpu.vector_load_idx %arg24[%broadcast_in_dim3A_188, %add3A_210] : memref<32x128xi32, #tpu.memory_space<vmem>>[vector<16xi32>, vector<16xi32>], vector<16xi32>,
        %add3A_212 = arith.addi %scan3A_184, %gather3A_211 : vector<16xi32>
        %add3A_213 = arith.constant 80 : i32
        %add3A_214 = vector.broadcast %add3A_213 : i32 to vector<16xi32>
        %add3A_215 = arith.addi %add3A_214, %iota3A : vector<16xi32>
        tpu.vector_store_idx %arg25[%broadcast_in_dim3A_188, %add3A_215], %scan3A_185 : memref<33x128xi32, #tpu.memory_space<vmem>>[vector<16xi32>, vector<16xi32>], vector<16xi32>,
        %gather3A_216 = tpu.vector_load_idx %arg24[%broadcast_in_dim3A_188, %add3A_215] : memref<32x128xi32, #tpu.memory_space<vmem>>[vector<16xi32>, vector<16xi32>], vector<16xi32>,
        %add3A_217 = arith.addi %scan3A_185, %gather3A_216 : vector<16xi32>
        %add3A_218 = arith.constant 96 : i32
        %add3A_219 = vector.broadcast %add3A_218 : i32 to vector<16xi32>
        %add3A_220 = arith.addi %add3A_219, %iota3A : vector<16xi32>
        tpu.vector_store_idx %arg25[%broadcast_in_dim3A_188, %add3A_220], %scan3A_186 : memref<33x128xi32, #tpu.memory_space<vmem>>[vector<16xi32>, vector<16xi32>], vector<16xi32>,
        %gather3A_221 = tpu.vector_load_idx %arg24[%broadcast_in_dim3A_188, %add3A_220] : memref<32x128xi32, #tpu.memory_space<vmem>>[vector<16xi32>, vector<16xi32>], vector<16xi32>,
        %add3A_222 = arith.addi %scan3A_186, %gather3A_221 : vector<16xi32>
        %add3A_223 = arith.constant 112 : i32
        %add3A_224 = vector.broadcast %add3A_223 : i32 to vector<16xi32>
        %add3A_225 = arith.addi %add3A_224, %iota3A : vector<16xi32>
        tpu.vector_store_idx %arg25[%broadcast_in_dim3A_188, %add3A_225], %scan3A_187 : memref<33x128xi32, #tpu.memory_space<vmem>>[vector<16xi32>, vector<16xi32>], vector<16xi32>,
        %gather3A_226 = tpu.vector_load_idx %arg24[%broadcast_in_dim3A_188, %add3A_225] : memref<32x128xi32, #tpu.memory_space<vmem>>[vector<16xi32>, vector<16xi32>], vector<16xi32>,
        %add3A_227 = arith.addi %scan3A_187, %gather3A_226 : vector<16xi32>
        scf.yield %add3A_192, %add3A_197, %add3A_202, %add3A_207, %add3A_212, %add3A_217, %add3A_222, %add3A_227 : vector<16xi32>, vector<16xi32>, vector<16xi32>, vector<16xi32>, vector<16xi32>, vector<16xi32>, vector<16xi32>, vector<16xi32>
      }
      %scan3A_135 = arith.constant 32 : i32
      %broadcast_in_dim3A_136 = arith.constant 32 : i32
      %broadcast_in_dim3A_137 = vector.broadcast %broadcast_in_dim3A_136 : i32 to vector<16xi32>
      %add3A_138 = arith.constant 0 : i32
      %add3A_139 = vector.broadcast %add3A_138 : i32 to vector<16xi32>
      %add3A_140 = arith.addi %add3A_139, %iota3A : vector<16xi32>
      tpu.vector_store_idx %arg25[%broadcast_in_dim3A_137, %add3A_140], %scan3A_134#0 : memref<33x128xi32, #tpu.memory_space<vmem>>[vector<16xi32>, vector<16xi32>], vector<16xi32>,
      %broadcast_in_dim3A_141 = arith.constant 32 : i32
      %broadcast_in_dim3A_142 = vector.broadcast %broadcast_in_dim3A_141 : i32 to vector<16xi32>
      %add3A_143 = arith.constant 16 : i32
      %add3A_144 = vector.broadcast %add3A_143 : i32 to vector<16xi32>
      %add3A_145 = arith.addi %add3A_144, %iota3A : vector<16xi32>
      tpu.vector_store_idx %arg25[%broadcast_in_dim3A_142, %add3A_145], %scan3A_134#1 : memref<33x128xi32, #tpu.memory_space<vmem>>[vector<16xi32>, vector<16xi32>], vector<16xi32>,
      %broadcast_in_dim3A_146 = arith.constant 32 : i32
      %broadcast_in_dim3A_147 = vector.broadcast %broadcast_in_dim3A_146 : i32 to vector<16xi32>
      %add3A_148 = arith.constant 32 : i32
      %add3A_149 = vector.broadcast %add3A_148 : i32 to vector<16xi32>
      %add3A_150 = arith.addi %add3A_149, %iota3A : vector<16xi32>
      tpu.vector_store_idx %arg25[%broadcast_in_dim3A_147, %add3A_150], %scan3A_134#2 : memref<33x128xi32, #tpu.memory_space<vmem>>[vector<16xi32>, vector<16xi32>], vector<16xi32>,
      %broadcast_in_dim3A_151 = arith.constant 32 : i32
      %broadcast_in_dim3A_152 = vector.broadcast %broadcast_in_dim3A_151 : i32 to vector<16xi32>
      %add3A_153 = arith.constant 48 : i32
      %add3A_154 = vector.broadcast %add3A_153 : i32 to vector<16xi32>
      %add3A_155 = arith.addi %add3A_154, %iota3A : vector<16xi32>
      tpu.vector_store_idx %arg25[%broadcast_in_dim3A_152, %add3A_155], %scan3A_134#3 : memref<33x128xi32, #tpu.memory_space<vmem>>[vector<16xi32>, vector<16xi32>], vector<16xi32>,
      %broadcast_in_dim3A_156 = arith.constant 32 : i32
      %broadcast_in_dim3A_157 = vector.broadcast %broadcast_in_dim3A_156 : i32 to vector<16xi32>
      %add3A_158 = arith.constant 64 : i32
      %add3A_159 = vector.broadcast %add3A_158 : i32 to vector<16xi32>
      %add3A_160 = arith.addi %add3A_159, %iota3A : vector<16xi32>
      tpu.vector_store_idx %arg25[%broadcast_in_dim3A_157, %add3A_160], %scan3A_134#4 : memref<33x128xi32, #tpu.memory_space<vmem>>[vector<16xi32>, vector<16xi32>], vector<16xi32>,
      %broadcast_in_dim3A_161 = arith.constant 32 : i32
      %broadcast_in_dim3A_162 = vector.broadcast %broadcast_in_dim3A_161 : i32 to vector<16xi32>
      %add3A_163 = arith.constant 80 : i32
      %add3A_164 = vector.broadcast %add3A_163 : i32 to vector<16xi32>
      %add3A_165 = arith.addi %add3A_164, %iota3A : vector<16xi32>
      tpu.vector_store_idx %arg25[%broadcast_in_dim3A_162, %add3A_165], %scan3A_134#5 : memref<33x128xi32, #tpu.memory_space<vmem>>[vector<16xi32>, vector<16xi32>], vector<16xi32>,
      %broadcast_in_dim3A_166 = arith.constant 32 : i32
      %broadcast_in_dim3A_167 = vector.broadcast %broadcast_in_dim3A_166 : i32 to vector<16xi32>
      %add3A_168 = arith.constant 96 : i32
      %add3A_169 = vector.broadcast %add3A_168 : i32 to vector<16xi32>
      %add3A_170 = arith.addi %add3A_169, %iota3A : vector<16xi32>
      tpu.vector_store_idx %arg25[%broadcast_in_dim3A_167, %add3A_170], %scan3A_134#6 : memref<33x128xi32, #tpu.memory_space<vmem>>[vector<16xi32>, vector<16xi32>], vector<16xi32>,
      %broadcast_in_dim3A_171 = arith.constant 32 : i32
      %broadcast_in_dim3A_172 = vector.broadcast %broadcast_in_dim3A_171 : i32 to vector<16xi32>
      %add3A_173 = arith.constant 112 : i32
      %add3A_174 = vector.broadcast %add3A_173 : i32 to vector<16xi32>
      %add3A_175 = arith.addi %add3A_174, %iota3A : vector<16xi32>
      tpu.vector_store_idx %arg25[%broadcast_in_dim3A_172, %add3A_175], %scan3A_134#7 : memref<33x128xi32, #tpu.memory_space<vmem>>[vector<16xi32>, vector<16xi32>], vector<16xi32>,
      %mul3A_176 = arith.constant 128 : i32
      %mul3A_177 = arith.muli %arg1, %mul3A_176 : i32
      %run_scoped3A_178 = arith.constant 0 : i32
      "tpu.region"() ({
        %run_scoped3A_179 = tpu.sem_alloc : memref<!tpu.dma_semaphore, #tpu.memory_space<semaphore_mem>>
        %dma_start3A_180 = arith.constant 0 : i32
        %dma_start3A_181 = tpu.memref_slice %arg32[%dma_start3A_180, %run_scoped3A_178, %mul3A_177] : memref<33x1x1536xi32, #tpu.memory_space<vmem_shared>> -> memref<33x1x128xi32, #tpu.memory_space<vmem_shared>>
        %dma_start3A_182 = tpu.memref_squeeze %dma_start3A_181 : memref<33x1x128xi32, #tpu.memory_space<vmem_shared>> -> memref<33x128xi32, #tpu.memory_space<vmem_shared>>
        %dma_start3A_183 = arith.constant 0 : i32
        %dma_start3A_184 = tpu.memref_slice %arg32[%dma_start3A_183, %run_scoped3A_178, %mul3A_177] : memref<33x1x1536xi32, #tpu.memory_space<vmem_shared>> -> memref<33x1x128xi32, #tpu.memory_space<vmem_shared>>
        %dma_start3A_185 = tpu.memref_squeeze %dma_start3A_184 : memref<33x1x128xi32, #tpu.memory_space<vmem_shared>> -> memref<33x128xi32, #tpu.memory_space<vmem_shared>>
        tpu.enqueue_dma source(%arg25 : memref<33x128xi32, #tpu.memory_space<vmem>>) target(%dma_start3A_185 : memref<33x128xi32, #tpu.memory_space<vmem_shared>>) target_semaphore(%run_scoped3A_179 : memref<!tpu.dma_semaphore, #tpu.memory_space<semaphore_mem>>)
        %dma_wait3A_186 = arith.constant 0 : i32
        %dma_wait3A_187 = tpu.memref_slice %arg32[%dma_wait3A_186, %run_scoped3A_178, %mul3A_177] : memref<33x1x1536xi32, #tpu.memory_space<vmem_shared>> -> memref<33x1x128xi32, #tpu.memory_space<vmem_shared>>
        %dma_wait3A_188 = tpu.memref_squeeze %dma_wait3A_187 : memref<33x1x128xi32, #tpu.memory_space<vmem_shared>> -> memref<33x128xi32, #tpu.memory_space<vmem_shared>>
        %dma_wait3A_189 = arith.constant 0 : i32
        %dma_wait3A_190 = tpu.memref_slice %arg32[%dma_wait3A_189, %run_scoped3A_178, %mul3A_177] : memref<33x1x1536xi32, #tpu.memory_space<vmem_shared>> -> memref<33x1x128xi32, #tpu.memory_space<vmem_shared>>
        %dma_wait3A_191 = tpu.memref_squeeze %dma_wait3A_190 : memref<33x1x128xi32, #tpu.memory_space<vmem_shared>> -> memref<33x128xi32, #tpu.memory_space<vmem_shared>>
        tpu.wait_dma2 semaphore(%run_scoped3A_179 : memref<!tpu.dma_semaphore, #tpu.memory_space<semaphore_mem>>) src(%arg25 : memref<33x128xi32, #tpu.memory_space<vmem>>) dst(%dma_wait3A_191 : memref<33x128xi32, #tpu.memory_space<vmem_shared>>)
        tpu.yield
      }) : () -> ()
    } else {
    }
    %barrier3A_71 = arith.constant 0 : index
    tpu.barrier barrier_id(%barrier3A_71)
    "tpu.region"() ({
      %run_scoped3A_111 = tpu.sem_alloc : memref<!tpu.dma_semaphore, #tpu.memory_space<semaphore_mem>>
      %dma_start3A_112 = arith.constant 0 : i32
      %dma_start3A_113 = arith.constant 0 : i32
      %dma_start3A_114 = tpu.memref_slice %arg32[%add3A, %dma_start3A_112, %dma_start3A_113] : memref<33x1x1536xi32, #tpu.memory_space<vmem_shared>> -> memref<1x1x1536xi32, #tpu.memory_space<vmem_shared>>
      %dma_start3A_115 = tpu.memref_squeeze %dma_start3A_114 : memref<1x1x1536xi32, #tpu.memory_space<vmem_shared>> -> memref<1x1536xi32, #tpu.memory_space<vmem_shared>>
      %dma_start3A_116 = arith.constant 0 : i32
      %dma_start3A_117 = arith.constant 0 : i32
      %dma_start3A_118 = tpu.memref_slice %arg32[%add3A, %dma_start3A_116, %dma_start3A_117] : memref<33x1x1536xi32, #tpu.memory_space<vmem_shared>> -> memref<1x1x1536xi32, #tpu.memory_space<vmem_shared>>
      %dma_start3A_119 = tpu.memref_squeeze %dma_start3A_118 : memref<1x1x1536xi32, #tpu.memory_space<vmem_shared>> -> memref<1x1536xi32, #tpu.memory_space<vmem_shared>>
      tpu.enqueue_dma source(%dma_start3A_119 : memref<1x1536xi32, #tpu.memory_space<vmem_shared>>) target(%arg26 : memref<1x1536xi32, #tpu.memory_space<vmem>>) target_semaphore(%run_scoped3A_111 : memref<!tpu.dma_semaphore, #tpu.memory_space<semaphore_mem>>)
      %dma_wait3A_120 = arith.constant 0 : i32
      %dma_wait3A_121 = arith.constant 0 : i32
      %dma_wait3A_122 = tpu.memref_slice %arg32[%add3A, %dma_wait3A_120, %dma_wait3A_121] : memref<33x1x1536xi32, #tpu.memory_space<vmem_shared>> -> memref<1x1x1536xi32, #tpu.memory_space<vmem_shared>>
      %dma_wait3A_123 = tpu.memref_squeeze %dma_wait3A_122 : memref<1x1x1536xi32, #tpu.memory_space<vmem_shared>> -> memref<1x1536xi32, #tpu.memory_space<vmem_shared>>
      %dma_wait3A_124 = arith.constant 0 : i32
      %dma_wait3A_125 = arith.constant 0 : i32
      %dma_wait3A_126 = tpu.memref_slice %arg32[%add3A, %dma_wait3A_124, %dma_wait3A_125] : memref<33x1x1536xi32, #tpu.memory_space<vmem_shared>> -> memref<1x1x1536xi32, #tpu.memory_space<vmem_shared>>
      %dma_wait3A_127 = tpu.memref_squeeze %dma_wait3A_126 : memref<1x1x1536xi32, #tpu.memory_space<vmem_shared>> -> memref<1x1536xi32, #tpu.memory_space<vmem_shared>>
      tpu.wait_dma2 semaphore(%run_scoped3A_111 : memref<!tpu.dma_semaphore, #tpu.memory_space<semaphore_mem>>) src(%dma_wait3A_127 : memref<1x1536xi32, #tpu.memory_space<vmem_shared>>) dst(%arg26 : memref<1x1536xi32, #tpu.memory_space<vmem>>)
      tpu.yield
    }) : () -> ()
    %run_scoped3A = arith.constant 32 : i32
    "tpu.region"() ({
      %run_scoped3A_111 = tpu.sem_alloc : memref<!tpu.dma_semaphore, #tpu.memory_space<semaphore_mem>>
      %dma_start3A_112 = arith.constant 0 : i32
      %dma_start3A_113 = arith.constant 0 : i32
      %dma_start3A_114 = tpu.memref_slice %arg32[%run_scoped3A, %dma_start3A_112, %dma_start3A_113] : memref<33x1x1536xi32, #tpu.memory_space<vmem_shared>> -> memref<1x1x1536xi32, #tpu.memory_space<vmem_shared>>
      %dma_start3A_115 = tpu.memref_squeeze %dma_start3A_114 : memref<1x1x1536xi32, #tpu.memory_space<vmem_shared>> -> memref<1x1536xi32, #tpu.memory_space<vmem_shared>>
      %dma_start3A_116 = arith.constant 0 : i32
      %dma_start3A_117 = arith.constant 0 : i32
      %dma_start3A_118 = tpu.memref_slice %arg32[%run_scoped3A, %dma_start3A_116, %dma_start3A_117] : memref<33x1x1536xi32, #tpu.memory_space<vmem_shared>> -> memref<1x1x1536xi32, #tpu.memory_space<vmem_shared>>
      %dma_start3A_119 = tpu.memref_squeeze %dma_start3A_118 : memref<1x1x1536xi32, #tpu.memory_space<vmem_shared>> -> memref<1x1536xi32, #tpu.memory_space<vmem_shared>>
      tpu.enqueue_dma source(%dma_start3A_119 : memref<1x1536xi32, #tpu.memory_space<vmem_shared>>) target(%arg27 : memref<1x1536xi32, #tpu.memory_space<vmem>>) target_semaphore(%run_scoped3A_111 : memref<!tpu.dma_semaphore, #tpu.memory_space<semaphore_mem>>)
      %dma_wait3A_120 = arith.constant 0 : i32
      %dma_wait3A_121 = arith.constant 0 : i32
      %dma_wait3A_122 = tpu.memref_slice %arg32[%run_scoped3A, %dma_wait3A_120, %dma_wait3A_121] : memref<33x1x1536xi32, #tpu.memory_space<vmem_shared>> -> memref<1x1x1536xi32, #tpu.memory_space<vmem_shared>>
      %dma_wait3A_123 = tpu.memref_squeeze %dma_wait3A_122 : memref<1x1x1536xi32, #tpu.memory_space<vmem_shared>> -> memref<1x1536xi32, #tpu.memory_space<vmem_shared>>
      %dma_wait3A_124 = arith.constant 0 : i32
      %dma_wait3A_125 = arith.constant 0 : i32
      %dma_wait3A_126 = tpu.memref_slice %arg32[%run_scoped3A, %dma_wait3A_124, %dma_wait3A_125] : memref<33x1x1536xi32, #tpu.memory_space<vmem_shared>> -> memref<1x1x1536xi32, #tpu.memory_space<vmem_shared>>
      %dma_wait3A_127 = tpu.memref_squeeze %dma_wait3A_126 : memref<1x1x1536xi32, #tpu.memory_space<vmem_shared>> -> memref<1x1536xi32, #tpu.memory_space<vmem_shared>>
      tpu.wait_dma2 semaphore(%run_scoped3A_111 : memref<!tpu.dma_semaphore, #tpu.memory_space<semaphore_mem>>) src(%dma_wait3A_127 : memref<1x1536xi32, #tpu.memory_space<vmem_shared>>) dst(%arg27 : memref<1x1536xi32, #tpu.memory_space<vmem>>)
      tpu.yield
    }) : () -> ()
    %scan3A_72 = arith.constant 0 : i32
    %scan3A_73 = arith.constant 0 : i32
    %scan3A_74 = arith.constant 64 : i32
    %scan3A_75 = arith.addi %scan3A_73, %scan3A_74 : i32
    %scan3A_76 = arith.constant 1 : i32
    %scan3A_77 = scf.for %scan3A_111 = %scan3A_73 to %scan3A_75 step %scan3A_76 iter_args(%scan3A_112 = %scan3A_72) -> (i32)  : i32 {
      %mul3A_113 = arith.constant 16 : i32
      %mul3A_114 = arith.muli %scan3A_111, %mul3A_113 : i32
      %add3A_115 = vector.broadcast %mul3A_114 : i32 to vector<16xi32>
      %add3A_116 = arith.addi %add3A_115, %iota3A : vector<16xi32>
      %gather3A = tpu.vector_load_idx %arg14[%add3A_116] : memref<1024xi32, #tpu.memory_space<vmem>>[vector<16xi32>], vector<16xi32>,
      %gather3A_117 = tpu.vector_load_idx %arg15[%add3A_116] : memref<1024xi32, #tpu.memory_space<vmem>>[vector<16xi32>], vector<16xi32>,
      %broadcast_in_dim3A_118 = arith.constant 1 : i32
      %broadcast_in_dim3A_119 = vector.broadcast %broadcast_in_dim3A_118 : i32 to vector<16xi32>
      %add3A_120 = arith.constant 0 : i32
      %add3A_121 = vector.broadcast %add3A_120 : i32 to vector<16xi32>
      %add3A_122 = arith.addi %gather3A, %add3A_121 : vector<16xi32>
      %gather3A_123 = tpu.vector_load_idx %arg26[%broadcast_in_dim3A_5, %add3A_122] : memref<1x1536xi32, #tpu.memory_space<vmem>>[vector<16xi32>, vector<16xi32>], vector<16xi32>,
      %gather3A_124 = tpu.vector_load_idx %arg16[%add3A_116] : memref<1024xi32, #tpu.memory_space<vmem>>[vector<16xi32>], vector<16xi32>,
      %add3A_125 = arith.addi %gather3A_123, %gather3A_124 : vector<16xi32>
      tpu.vector_store_idx %arg16[%add3A_116], %add3A_125 : memref<1024xi32, #tpu.memory_space<vmem>>[vector<16xi32>], vector<16xi32>,
      %gather3A_126 = tpu.vector_load_idx %arg27[%broadcast_in_dim3A_5, %add3A_122] : memref<1x1536xi32, #tpu.memory_space<vmem>>[vector<16xi32>, vector<16xi32>], vector<16xi32>,
      %ge3A = arith.constant 30 : i32
      %ge3A_127 = vector.broadcast %ge3A : i32 to vector<16xi32>
      %ge3A_128 = arith.cmpi sge, %gather3A_126, %ge3A_127 : vector<16xi32>
      %select_n3A = arith.select %ge3A_128, %broadcast_in_dim3A_119, %broadcast_in_dim3A_5 : vector<16xi1>, vector<16xi32>
      %ge3A_129 = arith.constant 60 : i32
      %ge3A_130 = vector.broadcast %ge3A_129 : i32 to vector<16xi32>
      %ge3A_131 = arith.cmpi sge, %gather3A_126, %ge3A_130 : vector<16xi32>
      %select_n3A_132 = arith.select %ge3A_131, %broadcast_in_dim3A_119, %broadcast_in_dim3A_5 : vector<16xi1>, vector<16xi32>
      %add3A_133 = arith.addi %select_n3A, %select_n3A_132 : vector<16xi32>
      tpu.vector_store_idx %arg18[%add3A_116], %add3A_133 : memref<1024xi32, #tpu.memory_space<vmem>>[vector<16xi32>], vector<16xi32>,
      %add3A_134 = arith.constant 768 : i32
      %add3A_135 = vector.broadcast %add3A_134 : i32 to vector<16xi32>
      %add3A_136 = arith.addi %gather3A_117, %add3A_135 : vector<16xi32>
      %gather3A_137 = tpu.vector_load_idx %arg26[%broadcast_in_dim3A_5, %add3A_136] : memref<1x1536xi32, #tpu.memory_space<vmem>>[vector<16xi32>, vector<16xi32>], vector<16xi32>,
      %gather3A_138 = tpu.vector_load_idx %arg17[%add3A_116] : memref<1024xi32, #tpu.memory_space<vmem>>[vector<16xi32>], vector<16xi32>,
      %add3A_139 = arith.addi %gather3A_137, %gather3A_138 : vector<16xi32>
      tpu.vector_store_idx %arg17[%add3A_116], %add3A_139 : memref<1024xi32, #tpu.memory_space<vmem>>[vector<16xi32>], vector<16xi32>,
      %gather3A_140 = tpu.vector_load_idx %arg27[%broadcast_in_dim3A_5, %add3A_136] : memref<1x1536xi32, #tpu.memory_space<vmem>>[vector<16xi32>, vector<16xi32>], vector<16xi32>,
      %ge3A_141 = arith.constant 30 : i32
      %ge3A_142 = vector.broadcast %ge3A_141 : i32 to vector<16xi32>
      %ge3A_143 = arith.cmpi sge, %gather3A_140, %ge3A_142 : vector<16xi32>
      %select_n3A_144 = arith.select %ge3A_143, %broadcast_in_dim3A_119, %broadcast_in_dim3A_5 : vector<16xi1>, vector<16xi32>
      %ge3A_145 = arith.constant 60 : i32
      %ge3A_146 = vector.broadcast %ge3A_145 : i32 to vector<16xi32>
      %ge3A_147 = arith.cmpi sge, %gather3A_140, %ge3A_146 : vector<16xi32>
      %select_n3A_148 = arith.select %ge3A_147, %broadcast_in_dim3A_119, %broadcast_in_dim3A_5 : vector<16xi1>, vector<16xi32>
      %add3A_149 = arith.addi %select_n3A_144, %select_n3A_148 : vector<16xi32>
      tpu.vector_store_idx %arg19[%add3A_116], %add3A_149 : memref<1024xi32, #tpu.memory_space<vmem>>[vector<16xi32>], vector<16xi32>,
      %scan3A_150 = arith.constant 0 : i32
      scf.yield %scan3A_150 : i32
    }
    %scan3A_78 = arith.constant 64 : i32
    %dma_start3A_79 = tpu.memref_slice %arg7[%mul3A_18] : memref<32768xi32, #tpu.memory_space<hbm>> -> memref<1024xi32, #tpu.memory_space<hbm>>
    %dma_start3A_80 = tpu.memref_slice %arg7[%mul3A_18] : memref<32768xi32, #tpu.memory_space<hbm>> -> memref<1024xi32, #tpu.memory_space<hbm>>
    tpu.enqueue_dma source(%arg16 : memref<1024xi32, #tpu.memory_space<vmem>>) target(%dma_start3A_80 : memref<1024xi32, #tpu.memory_space<hbm>>) target_semaphore(%arg30 : memref<!tpu.dma_semaphore, #tpu.memory_space<semaphore_mem>>)
    %dma_start3A_81 = tpu.memref_slice %arg8[%mul3A_18] : memref<32768xi32, #tpu.memory_space<hbm>> -> memref<1024xi32, #tpu.memory_space<hbm>>
    %dma_start3A_82 = tpu.memref_slice %arg8[%mul3A_18] : memref<32768xi32, #tpu.memory_space<hbm>> -> memref<1024xi32, #tpu.memory_space<hbm>>
    tpu.enqueue_dma source(%arg18 : memref<1024xi32, #tpu.memory_space<vmem>>) target(%dma_start3A_82 : memref<1024xi32, #tpu.memory_space<hbm>>) target_semaphore(%arg30 : memref<!tpu.dma_semaphore, #tpu.memory_space<semaphore_mem>>)
    %dma_start3A_83 = tpu.memref_slice %arg9[%mul3A_18] : memref<32768xi32, #tpu.memory_space<hbm>> -> memref<1024xi32, #tpu.memory_space<hbm>>
    %dma_start3A_84 = tpu.memref_slice %arg9[%mul3A_18] : memref<32768xi32, #tpu.memory_space<hbm>> -> memref<1024xi32, #tpu.memory_space<hbm>>
    tpu.enqueue_dma source(%arg17 : memref<1024xi32, #tpu.memory_space<vmem>>) target(%dma_start3A_84 : memref<1024xi32, #tpu.memory_space<hbm>>) target_semaphore(%arg30 : memref<!tpu.dma_semaphore, #tpu.memory_space<semaphore_mem>>)
    %dma_start3A_85 = tpu.memref_slice %arg10[%mul3A_18] : memref<32768xi32, #tpu.memory_space<hbm>> -> memref<1024xi32, #tpu.memory_space<hbm>>
    %dma_start3A_86 = tpu.memref_slice %arg10[%mul3A_18] : memref<32768xi32, #tpu.memory_space<hbm>> -> memref<1024xi32, #tpu.memory_space<hbm>>
    tpu.enqueue_dma source(%arg19 : memref<1024xi32, #tpu.memory_space<vmem>>) target(%dma_start3A_86 : memref<1024xi32, #tpu.memory_space<hbm>>) target_semaphore(%arg30 : memref<!tpu.dma_semaphore, #tpu.memory_space<semaphore_mem>>)
    %dma_wait3A_87 = tpu.memref_slice %arg3[%mul3A_18] : memref<32768xi32, #tpu.memory_space<hbm>> -> memref<1024xi32, #tpu.memory_space<hbm>>
    %dma_wait3A_88 = tpu.memref_slice %arg3[%mul3A_18] : memref<32768xi32, #tpu.memory_space<hbm>> -> memref<1024xi32, #tpu.memory_space<hbm>>
    tpu.wait_dma2 semaphore(%arg30 : memref<!tpu.dma_semaphore, #tpu.memory_space<semaphore_mem>>) src(%arg14 : memref<1024xi32, #tpu.memory_space<vmem>>) dst(%dma_wait3A_88 : memref<1024xi32, #tpu.memory_space<hbm>>)
    %dma_wait3A_89 = tpu.memref_slice %arg5[%mul3A_18] : memref<32768xi32, #tpu.memory_space<hbm>> -> memref<1024xi32, #tpu.memory_space<hbm>>
    %dma_wait3A_90 = tpu.memref_slice %arg5[%mul3A_18] : memref<32768xi32, #tpu.memory_space<hbm>> -> memref<1024xi32, #tpu.memory_space<hbm>>
    tpu.wait_dma2 semaphore(%arg30 : memref<!tpu.dma_semaphore, #tpu.memory_space<semaphore_mem>>) src(%arg15 : memref<1024xi32, #tpu.memory_space<vmem>>) dst(%dma_wait3A_90 : memref<1024xi32, #tpu.memory_space<hbm>>)
    %dma_wait3A_91 = arith.constant 0 : i32
    %dma_wait3A_92 = tpu.memref_slice %arg4[%dma_wait3A_91, %mul3A_18] : memref<3x32768xi32, #tpu.memory_space<hbm>> -> memref<3x1024xi32, #tpu.memory_space<hbm>>
    %dma_wait3A_93 = arith.constant 0 : i32
    %dma_wait3A_94 = tpu.memref_slice %arg4[%dma_wait3A_93, %mul3A_18] : memref<3x32768xi32, #tpu.memory_space<hbm>> -> memref<3x1024xi32, #tpu.memory_space<hbm>>
    tpu.wait_dma2 semaphore(%arg30 : memref<!tpu.dma_semaphore, #tpu.memory_space<semaphore_mem>>) src(%arg20 : memref<3x1024xi32, #tpu.memory_space<vmem>>) dst(%dma_wait3A_94 : memref<3x1024xi32, #tpu.memory_space<hbm>>)
    %dma_wait3A_95 = arith.constant 0 : i32
    %dma_wait3A_96 = tpu.memref_slice %arg6[%dma_wait3A_95, %mul3A_18] : memref<3x32768xi32, #tpu.memory_space<hbm>> -> memref<3x1024xi32, #tpu.memory_space<hbm>>
    %dma_wait3A_97 = arith.constant 0 : i32
    %dma_wait3A_98 = tpu.memref_slice %arg6[%dma_wait3A_97, %mul3A_18] : memref<3x32768xi32, #tpu.memory_space<hbm>> -> memref<3x1024xi32, #tpu.memory_space<hbm>>
    tpu.wait_dma2 semaphore(%arg30 : memref<!tpu.dma_semaphore, #tpu.memory_space<semaphore_mem>>) src(%arg21 : memref<3x1024xi32, #tpu.memory_space<vmem>>) dst(%dma_wait3A_98 : memref<3x1024xi32, #tpu.memory_space<hbm>>)
    %dma_wait3A_99 = arith.constant 0 : i32
    %dma_wait3A_100 = tpu.memref_slice %arg11[%dma_wait3A_99, %mul3A_18] : memref<4x32768xi32, #tpu.memory_space<hbm>> -> memref<4x1024xi32, #tpu.memory_space<hbm>>
    %dma_wait3A_101 = arith.constant 0 : i32
    %dma_wait3A_102 = tpu.memref_slice %arg11[%dma_wait3A_101, %mul3A_18] : memref<4x32768xi32, #tpu.memory_space<hbm>> -> memref<4x1024xi32, #tpu.memory_space<hbm>>
    tpu.wait_dma2 semaphore(%arg30 : memref<!tpu.dma_semaphore, #tpu.memory_space<semaphore_mem>>) src(%arg22 : memref<4x1024xi32, #tpu.memory_space<vmem>>) dst(%dma_wait3A_102 : memref<4x1024xi32, #tpu.memory_space<hbm>>)
    %dma_wait3A_103 = tpu.memref_slice %arg7[%mul3A_18] : memref<32768xi32, #tpu.memory_space<hbm>> -> memref<1024xi32, #tpu.memory_space<hbm>>
    %dma_wait3A_104 = tpu.memref_slice %arg7[%mul3A_18] : memref<32768xi32, #tpu.memory_space<hbm>> -> memref<1024xi32, #tpu.memory_space<hbm>>
    tpu.wait_dma2 semaphore(%arg30 : memref<!tpu.dma_semaphore, #tpu.memory_space<semaphore_mem>>) src(%arg16 : memref<1024xi32, #tpu.memory_space<vmem>>) dst(%dma_wait3A_104 : memref<1024xi32, #tpu.memory_space<hbm>>)
    %dma_wait3A_105 = tpu.memref_slice %arg8[%mul3A_18] : memref<32768xi32, #tpu.memory_space<hbm>> -> memref<1024xi32, #tpu.memory_space<hbm>>
    %dma_wait3A_106 = tpu.memref_slice %arg8[%mul3A_18] : memref<32768xi32, #tpu.memory_space<hbm>> -> memref<1024xi32, #tpu.memory_space<hbm>>
    tpu.wait_dma2 semaphore(%arg30 : memref<!tpu.dma_semaphore, #tpu.memory_space<semaphore_mem>>) src(%arg18 : memref<1024xi32, #tpu.memory_space<vmem>>) dst(%dma_wait3A_106 : memref<1024xi32, #tpu.memory_space<hbm>>)
    %dma_wait3A_107 = tpu.memref_slice %arg9[%mul3A_18] : memref<32768xi32, #tpu.memory_space<hbm>> -> memref<1024xi32, #tpu.memory_space<hbm>>
    %dma_wait3A_108 = tpu.memref_slice %arg9[%mul3A_18] : memref<32768xi32, #tpu.memory_space<hbm>> -> memref<1024xi32, #tpu.memory_space<hbm>>
    tpu.wait_dma2 semaphore(%arg30 : memref<!tpu.dma_semaphore, #tpu.memory_space<semaphore_mem>>) src(%arg17 : memref<1024xi32, #tpu.memory_space<vmem>>) dst(%dma_wait3A_108 : memref<1024xi32, #tpu.memory_space<hbm>>)
    %dma_wait3A_109 = tpu.memref_slice %arg10[%mul3A_18] : memref<32768xi32, #tpu.memory_space<hbm>> -> memref<1024xi32, #tpu.memory_space<hbm>>
    %dma_wait3A_110 = tpu.memref_slice %arg10[%mul3A_18] : memref<32768xi32, #tpu.memory_space<hbm>> -> memref<1024xi32, #tpu.memory_space<hbm>>
    tpu.wait_dma2 semaphore(%arg30 : memref<!tpu.dma_semaphore, #tpu.memory_space<semaphore_mem>>) src(%arg19 : memref<1024xi32, #tpu.memory_space<vmem>>) dst(%dma_wait3A_110 : memref<1024xi32, #tpu.memory_space<hbm>>)
    return
  }
}

module attributes {stable_mosaic.version = 14 : i64} {
  func.func @_tc_body(%arg0: i32, %arg1: memref<4x8192xi32, #tpu.memory_space<vmem>>, %arg2: memref<48x256xf32, #tpu.memory_space<vmem>>, %arg3: memref<8192x128xf32, #tpu.memory_space<vmem>>, %arg4: memref<8192x128xf32, #tpu.memory_space<vmem>>) attributes {dimension_semantics = [#tpu.dimension_semantics<parallel>], iteration_bounds = array<i64: 4>, scalar_prefetch = 0 : i64, scratch_operands = 0 : i64, tpu.core_type = #tpu.core_type<tc>, window_params = [{transform_indices = @transform_0, window_bounds = array<i64: 4, 8192>}, {pipeline_mode = #tpu.pipeline_mode<synchronous>, transform_indices = @transform_1, window_bounds = array<i64: 48, 256>}, {transform_indices = @transform_2, window_bounds = array<i64: 8192, 128>}, {transform_indices = @transform_3, window_bounds = array<i64: 8192, 128>}]} {
    %get3A = arith.constant 0 : index
    %get3A_0 = arith.constant 0 : index
    %get3A_1 = vector.load %arg1[%get3A, %get3A_0] : memref<4x8192xi32, #tpu.memory_space<vmem>>, vector<4x8192xi32>
    %slice3A = vector.extract_strided_slice %get3A_1 {offsets = [1, 0], sizes = [1, 8192], strides = [1, 1]} : vector<4x8192xi32> to vector<1x8192xi32>
    %slice3A_2 = vector.extract_strided_slice %get3A_1 {offsets = [2, 0], sizes = [1, 8192], strides = [1, 1]} : vector<4x8192xi32> to vector<1x8192xi32>
    %slice3A_3 = vector.extract_strided_slice %get3A_1 {offsets = [3, 0], sizes = [1, 8192], strides = [1, 1]} : vector<4x8192xi32> to vector<1x8192xi32>
    %add3A = arith.constant 8 : i32
    %add3A_4 = vector.broadcast %add3A : i32 to vector<1x8192xi32>
    %add3A_5 = arith.addi %slice3A_3, %add3A_4 : vector<1x8192xi32>
    %and3A = arith.constant 7 : i32
    %and3A_6 = vector.broadcast %and3A : i32 to vector<1x8192xi32>
    %and3A_7 = arith.andi %add3A_5, %and3A_6 : vector<1x8192xi32>
    %shift_left3A = arith.constant 1 : i32
    %shift_left3A_8 = vector.broadcast %shift_left3A : i32 to vector<1x8192xi32>
    %shift_left3A_9 = arith.shli %shift_left3A_8, %and3A_7 : vector<1x8192xi32>
    %add3A_10 = arith.constant 8 : i32
    %add3A_11 = vector.broadcast %add3A_10 : i32 to vector<1x8192xi32>
    %add3A_12 = arith.addi %slice3A_2, %add3A_11 : vector<1x8192xi32>
    %and3A_13 = arith.constant 7 : i32
    %and3A_14 = vector.broadcast %and3A_13 : i32 to vector<1x8192xi32>
    %and3A_15 = arith.andi %add3A_12, %and3A_14 : vector<1x8192xi32>
    %add3A_16 = arith.constant 8 : i32
    %add3A_17 = vector.broadcast %add3A_16 : i32 to vector<1x8192xi32>
    %add3A_18 = arith.addi %and3A_15, %add3A_17 : vector<1x8192xi32>
    %shift_left3A_19 = arith.constant 1 : i32
    %shift_left3A_20 = vector.broadcast %shift_left3A_19 : i32 to vector<1x8192xi32>
    %shift_left3A_21 = arith.shli %shift_left3A_20, %add3A_18 : vector<1x8192xi32>
    %or3A = arith.ori %shift_left3A_9, %shift_left3A_21 : vector<1x8192xi32>
    %add3A_22 = arith.constant 8 : i32
    %add3A_23 = vector.broadcast %add3A_22 : i32 to vector<1x8192xi32>
    %add3A_24 = arith.addi %slice3A, %add3A_23 : vector<1x8192xi32>
    %and3A_25 = arith.constant 7 : i32
    %and3A_26 = vector.broadcast %and3A_25 : i32 to vector<1x8192xi32>
    %and3A_27 = arith.andi %add3A_24, %and3A_26 : vector<1x8192xi32>
    %add3A_28 = arith.constant 16 : i32
    %add3A_29 = vector.broadcast %add3A_28 : i32 to vector<1x8192xi32>
    %add3A_30 = arith.addi %and3A_27, %add3A_29 : vector<1x8192xi32>
    %shift_left3A_31 = arith.constant 1 : i32
    %shift_left3A_32 = vector.broadcast %shift_left3A_31 : i32 to vector<1x8192xi32>
    %shift_left3A_33 = arith.shli %shift_left3A_32, %add3A_30 : vector<1x8192xi32>
    %or3A_34 = arith.ori %or3A, %shift_left3A_33 : vector<1x8192xi32>
    %add3A_35 = arith.constant 4 : i32
    %add3A_36 = vector.broadcast %add3A_35 : i32 to vector<1x8192xi32>
    %add3A_37 = arith.addi %slice3A_3, %add3A_36 : vector<1x8192xi32>
    %and3A_38 = arith.constant 7 : i32
    %and3A_39 = vector.broadcast %and3A_38 : i32 to vector<1x8192xi32>
    %and3A_40 = arith.andi %add3A_37, %and3A_39 : vector<1x8192xi32>
    %shift_left3A_41 = arith.constant 1 : i32
    %shift_left3A_42 = vector.broadcast %shift_left3A_41 : i32 to vector<1x8192xi32>
    %shift_left3A_43 = arith.shli %shift_left3A_42, %and3A_40 : vector<1x8192xi32>
    %add3A_44 = arith.constant 4 : i32
    %add3A_45 = vector.broadcast %add3A_44 : i32 to vector<1x8192xi32>
    %add3A_46 = arith.addi %slice3A_2, %add3A_45 : vector<1x8192xi32>
    %and3A_47 = arith.constant 7 : i32
    %and3A_48 = vector.broadcast %and3A_47 : i32 to vector<1x8192xi32>
    %and3A_49 = arith.andi %add3A_46, %and3A_48 : vector<1x8192xi32>
    %add3A_50 = arith.constant 8 : i32
    %add3A_51 = vector.broadcast %add3A_50 : i32 to vector<1x8192xi32>
    %add3A_52 = arith.addi %and3A_49, %add3A_51 : vector<1x8192xi32>
    %shift_left3A_53 = arith.constant 1 : i32
    %shift_left3A_54 = vector.broadcast %shift_left3A_53 : i32 to vector<1x8192xi32>
    %shift_left3A_55 = arith.shli %shift_left3A_54, %add3A_52 : vector<1x8192xi32>
    %or3A_56 = arith.ori %shift_left3A_43, %shift_left3A_55 : vector<1x8192xi32>
    %add3A_57 = arith.constant 4 : i32
    %add3A_58 = vector.broadcast %add3A_57 : i32 to vector<1x8192xi32>
    %add3A_59 = arith.addi %slice3A, %add3A_58 : vector<1x8192xi32>
    %and3A_60 = arith.constant 7 : i32
    %and3A_61 = vector.broadcast %and3A_60 : i32 to vector<1x8192xi32>
    %and3A_62 = arith.andi %add3A_59, %and3A_61 : vector<1x8192xi32>
    %add3A_63 = arith.constant 16 : i32
    %add3A_64 = vector.broadcast %add3A_63 : i32 to vector<1x8192xi32>
    %add3A_65 = arith.addi %and3A_62, %add3A_64 : vector<1x8192xi32>
    %shift_left3A_66 = arith.constant 1 : i32
    %shift_left3A_67 = vector.broadcast %shift_left3A_66 : i32 to vector<1x8192xi32>
    %shift_left3A_68 = arith.shli %shift_left3A_67, %add3A_65 : vector<1x8192xi32>
    %or3A_69 = arith.ori %or3A_56, %shift_left3A_68 : vector<1x8192xi32>
    %concatenate3A = tpu.concatenate %or3A_34, %or3A_69 in 0 : vector<1x8192xi32>, vector<1x8192xi32> -> vector<2x8192xi32>
    %transpose3A = tpu.transpose %concatenate3A, [1, 0] : vector<2x8192xi32> -> vector<8192x2xi32>
    %slice3A_70 = vector.extract_strided_slice %transpose3A {offsets = [0, 0], sizes = [8192, 1], strides = [1, 1]} : vector<8192x2xi32> to vector<8192x1xi32>
    %slice3A_71 = vector.extract_strided_slice %transpose3A {offsets = [0, 1], sizes = [8192, 1], strides = [1, 1]} : vector<8192x2xi32> to vector<8192x1xi32>
    %iota3A = tpu.iota {dimensions = array<i32: 1>} : vector<8192x48xi32>
    %lt3A = arith.constant 24 : i32
    %lt3A_72 = vector.broadcast %lt3A : i32 to vector<8192x48xi32>
    %lt3A_73 = arith.cmpi slt, %iota3A, %lt3A_72 : vector<8192x48xi32>
    %sub3A = arith.constant 24 : i32
    %sub3A_74 = vector.broadcast %sub3A : i32 to vector<8192x48xi32>
    %sub3A_75 = arith.subi %iota3A, %sub3A_74 : vector<8192x48xi32>
    %select_n3A = arith.select %lt3A_73, %iota3A, %sub3A_75 : vector<8192x48xi1>, vector<8192x48xi32>
    %lt3A_76 = arith.constant 24 : i32
    %lt3A_77 = vector.broadcast %lt3A_76 : i32 to vector<8192x48xi32>
    %lt3A_78 = arith.cmpi slt, %iota3A, %lt3A_77 : vector<8192x48xi32>
    %broadcast_in_dim3A = vector.shape_cast %slice3A_70 : vector<8192x1xi32> to vector<8192x1xi32>
    %broadcast_in_dim3A_79 = vector.broadcast %broadcast_in_dim3A : vector<8192x1xi32> to vector<8192x48xi32>
    %broadcast_in_dim3A_80 = vector.shape_cast %slice3A_71 : vector<8192x1xi32> to vector<8192x1xi32>
    %broadcast_in_dim3A_81 = vector.broadcast %broadcast_in_dim3A_80 : vector<8192x1xi32> to vector<8192x48xi32>
    %select_n3A_82 = arith.select %lt3A_78, %broadcast_in_dim3A_79, %broadcast_in_dim3A_81 : vector<8192x48xi1>, vector<8192x48xi32>
    %shift_right_arithmetic3A = arith.shrsi %select_n3A_82, %select_n3A : vector<8192x48xi32>
    %and3A_83 = arith.constant 1 : i32
    %and3A_84 = vector.broadcast %and3A_83 : i32 to vector<8192x48xi32>
    %and3A_85 = arith.andi %shift_right_arithmetic3A, %and3A_84 : vector<8192x48xi32>
    %convert_element_type3A = arith.sitofp %and3A_85 : vector<8192x48xi32> to vector<8192x48xf32>
    %get3A_86 = arith.constant 0 : index
    %get3A_87 = arith.constant 0 : index
    %get3A_88 = vector.load %arg2[%get3A_86, %get3A_87] : memref<48x256xf32, #tpu.memory_space<vmem>>, vector<48x256xf32>
    %dot_general3A = arith.constant dense<0.000000e+00> : vector<8192x256xf32>
    %dot_general3A_89 = tpu.matmul %convert_element_type3A, %get3A_88, %dot_general3A {dimension_numbers = #tpu.dot_dimension_numbers<[1], [0], [0], [1], [0, 0, 1, 1], [], []>, transpose_lhs_hint = false} : vector<8192x48xf32>, vector<48x256xf32>, vector<8192x256xf32> -> vector<8192x256xf32>
    %slice3A_90 = vector.extract_strided_slice %dot_general3A_89 {offsets = [0, 0], sizes = [8192, 128], strides = [1, 1]} : vector<8192x256xf32> to vector<8192x128xf32>
    %swap3A = arith.constant 0 : index
    %swap3A_91 = arith.constant 0 : index
    %swap3A_92 = vector.load %arg3[%swap3A, %swap3A_91] : memref<8192x128xf32, #tpu.memory_space<vmem>>, vector<8192x128xf32>
    tpu.vector_store %arg3[%swap3A, %swap3A_91], %slice3A_90 {strides = array<i32>} : memref<8192x128xf32, #tpu.memory_space<vmem>>, vector<8192x128xf32>,
    %slice3A_93 = vector.extract_strided_slice %dot_general3A_89 {offsets = [0, 128], sizes = [8192, 128], strides = [1, 1]} : vector<8192x256xf32> to vector<8192x128xf32>
    %swap3A_94 = arith.constant 0 : index
    %swap3A_95 = arith.constant 0 : index
    %swap3A_96 = vector.load %arg4[%swap3A_94, %swap3A_95] : memref<8192x128xf32, #tpu.memory_space<vmem>>, vector<8192x128xf32>
    tpu.vector_store %arg4[%swap3A_94, %swap3A_95], %slice3A_93 {strides = array<i32>} : memref<8192x128xf32, #tpu.memory_space<vmem>>, vector<8192x128xf32>,
    return
  }
  func.func @transform_0(%arg0: i32) -> (i32, i32) {
    %c0_i32 = arith.constant 0 : i32
    %c0_i32_0 = arith.constant 0 : i32
    return %c0_i32, %arg0 : i32, i32
  }
  func.func @transform_1(%arg0: i32) -> (i32, i32) {
    %c0_i32 = arith.constant 0 : i32
    %c0_i32_0 = arith.constant 0 : i32
    %c0_i32_1 = arith.constant 0 : i32
    return %c0_i32, %c0_i32_0 : i32, i32
  }
  func.func @transform_2(%arg0: i32) -> (i32, i32) {
    %c0_i32 = arith.constant 0 : i32
    %c0_i32_0 = arith.constant 0 : i32
    return %arg0, %c0_i32 : i32, i32
  }
  func.func @transform_3(%arg0: i32) -> (i32, i32) {
    %c0_i32 = arith.constant 0 : i32
    %c0_i32_0 = arith.constant 0 : i32
    return %arg0, %c0_i32 : i32, i32
  }
}

</mosaic_0001>

<sc_bundles>
// kernel: kernel.4.cloned.1.call-start
scs
__scs_entry_jumppad:
0x0: {  	(pc) =	sbr.rel $0x88, $3  }
0x1: {  	(tag) =	ssettag $0x0;
	lr =	simm.s32 $0x1  }
0x2: {  	[smem:$0x3F9F] =	sst lr;
	_ =	strace $0xD0000000  }
0x3: {  	_ = 	snop  }
0x4: {  	_ = 	snop  }
0x5: {  	_ = 	snop  }
0x6: {  	_ = 	snop  }
0x7: {  	_ = 	snop  }
__scs_overlays_trampoline_lowered:
0x8: {  	[smem:$0x3FAE] =	sst s0  }
0x9: {  	[smem:$0x3FAF] =	sst s1  }
0xa: {  	[smem:$0x3FB0] =	sst s2  }
0xb: {  	[smem:$0x3FB1] =	sst s3  }
0xc: {  	[smem:$0x3FB2] =	sst s4  }
0xd: {  	[smem:$0x3FB3] =	sst s5  }
0xe: {  	[smem:$0x3FB4] =	sst s6  }
0xf: {  	[smem:$0x3FB5] =	sst s7  }
0x10: {  	[smem:$0x3FB6] =	sst s8  }
0x11: {  	[smem:$0x3FB7] =	sst s9;
	s0 =	simm.s32 @!p0 $0x0  }
0x12: {  	s1 =	sld [smem:$0x3F9D];
	s0 =	simm.s32 @p0 $0x1  }
0x13: {  	[smem:$0x3FB8] =	sst s0;
	s0 =	simm.s32 @!p1 $0x0  }
0x14: {  	s2 =	sld [smem:$0x3F9C];
	s0 =	simm.s32 @p1 $0x1  }
0x15: {  	[smem:$0x3FB9] =	sst s0;
	s0 =	simm.s32 @!p2 $0x0  }
0x16: {  	s3 =	sld [smem:$0x3FDB];
	s0 =	simm.s32 @p2 $0x1  }
0x17: {  	s4 =	simm.s32 $0x1BF5;
	[smem:$0x3FBB] =	sst s0  }
0x18: {  	s0 =	sld [smem:$0x3F9E];
	_ =	swait.ge [sflag:s4], $0x0  }
0x19: {  	s7 =	sld [smem:$0x3F9F]  }
0x1a: {  	s8 =	sadd.s32 $0xFFFFE003, lr  }
0x1b: {  	s9 =	sadd.s32 $0xFFFFFEF7, lr;
	s5 =	simm.s32 $0xFFFFFFFF;
	p2 =	slt.u32 s8, $0xFFFFF086  }
0x1c: {  	p1 =	slt.u32 s9, $0xF7A;
	s5 =	simm.s32 @!p2 $0x0  }
0x1d: {  	s5 =	simm.s32 @p1 $0x1;
	p0 =	seq.s32 s7, s2  }
0x1e: {  	s7 =	smul.u32 @!p0 $0xF7A, s2;
	p2 =	seq.s32 @!p0 s5, $0x0  }
0x1f: {  	s9 =	smul.u32 $0xF7A, s1;
	s8 =	simm.s32 @!p0 $0x1BF5;
	p2 =	por !p2, p0  }
0x20: {  	[sflag:s8] =	ssyncset.s32 @!p0 $0xFFFFF086;
	s6 =	sadd.s32 @!p0 s3, s7;
	s7 =	simm.s32 @!p0 $0x108  }
0x21: {  	s3 =	sadd.s32 s3, s9;
	s6 =	sadd.s32 @!p0 $0x88, s6;
	s7 =	simm.s32 @p2 $0x1082  }
0x22: {  	[simem:s7], [sflag:s8] =	dma.local @!p0 [hbm:s6], $0xF7A  }
0x23: {  	s9 =	sor.u32 $0xD0000000, s2;
	s6 =	simm.s32 $0x108;
	_ =	swait.ge @!p0 [sflag:s8], $0x0  }
0x24: {  	s3 =	sadd.s32 $0x88, s3;
	s6 =	simm.s32 @!p1 $0x1082;
	[sflag:s4] =	ssyncset.s32 $0xFFFFF086  }
0x25: {  	[simem:s6], [sflag:s4] =	dma.local [hbm:s3], $0xF7A  }
0x26: {  	[smem:$0x3F9F] =	sst s1;
	(tag) =	ssettag s2;
	_ =	strace s9  }
0x27: {  	s1 =	sld [smem:$0x3FAF]  }
0x28: {  	s2 =	sld [smem:$0x3FB0]  }
0x29: {  	s4 =	sld [smem:$0x3FB2]  }
0x2a: {  	p0 =	seq.s32 s5, $0x0;
	s5 =	sld [smem:$0x3FB3]  }
0x2b: {  	s6 =	sld [smem:$0x3FB4]  }
0x2c: {  	s7 =	sld [smem:$0x3FB5]  }
0x2d: {  	s3 =	simm.s32 $0x108;
	s8 =	sld [smem:$0x3FB6]  }
0x2e: {  	s3 =	simm.s32 @!p0 $0x1082;
	s9 =	sld [smem:$0x3FB7]  }
0x2f: {  	lr =	sadd.s32 s0, s3;
	s0 =	sld [smem:$0x3FAE]  }
0x30: {  	s3 =	sld [smem:$0x3FB1]  }
0x31: {  	[smem:$0x3FBA] =	sst s10  }
0x32: {  	s10 =	sld [smem:$0x3FB8];
	_ =	sdelay $0x3  }
0x33: {  	p0 =	seq.s32 s10, $0x1;
	s10 =	sld [smem:$0x3FBA];
	_ =	sdelay $0x3  }
0x34: {  	[smem:$0x3FBA] =	sst s10  }
0x35: {  	s10 =	sld [smem:$0x3FB9];
	_ =	sdelay $0x3  }
0x36: {  	p1 =	seq.s32 s10, $0x1;
	s10 =	sld [smem:$0x3FBA];
	_ =	sdelay $0x3  }
0x37: {  	[smem:$0x3FBA] =	sst s10  }
0x38: {  	s10 =	sld [smem:$0x3FBB]  }
0x39: {  	_ = 	snop;
	(pc) =	sbr.ind lr, $3  }
0x3a: {  	_ = 	snop  }
0x3b: {  	_ = 	snop  }
0x3c: {  	p2 =	seq.s32 s10, $0x1;
	s10 =	sld [smem:$0x3FBA]  }
0x3d: {  	_ =	shalt  }
0x3e: {  	_ =	shalt  }
0x3f: {  	_ =	shalt  }
0x40: {  	_ =	shalt  }
0x41: {  	_ =	shalt  }
0x42: {  	_ =	shalt  }
0x43: {  	_ =	shalt  }
0x44: {  	_ =	shalt  }
0x45: {  	_ =	shalt  }
0x46: {  	_ =	shalt  }
0x47: {  	_ =	shalt  }
0x48: {  	_ =	shalt  }
0x49: {  	_ =	shalt  }
0x4a: {  	_ =	shalt  }
0x4b: {  	_ =	shalt  }
0x4c: {  	_ =	shalt  }
0x4d: {  	_ =	shalt  }
0x4e: {  	_ =	shalt  }
0x4f: {  	_ =	shalt  }
0x50: {  	_ =	shalt  }
0x51: {  	_ =	shalt  }
0x52: {  	_ =	shalt  }
0x53: {  	_ =	shalt  }
0x54: {  	_ =	shalt  }
0x55: {  	_ =	shalt  }
0x56: {  	_ =	shalt  }
0x57: {  	_ =	shalt  }
0x58: {  	_ =	shalt  }
0x59: {  	_ =	shalt  }
0x5a: {  	_ =	shalt  }
0x5b: {  	_ =	shalt  }
0x5c: {  	_ =	shalt  }
0x5d: {  	_ =	shalt  }
0x5e: {  	_ =	shalt  }
0x5f: {  	_ =	shalt  }
0x60: {  	_ =	shalt  }
0x61: {  	_ =	shalt  }
0x62: {  	_ =	shalt  }
0x63: {  	_ =	shalt  }
0x64: {  	_ =	shalt  }
0x65: {  	_ =	shalt  }
0x66: {  	_ =	shalt  }
0x67: {  	_ =	shalt  }
0x68: {  	_ =	shalt  }
0x69: {  	_ =	shalt  }
0x6a: {  	_ =	shalt  }
0x6b: {  	_ =	shalt  }
0x6c: {  	_ =	shalt  }
0x6d: {  	_ =	shalt  }
0x6e: {  	_ =	shalt  }
0x6f: {  	_ =	shalt  }
0x70: {  	_ =	shalt  }
0x71: {  	_ =	shalt  }
0x72: {  	_ =	shalt  }
0x73: {  	_ =	shalt  }
0x74: {  	_ =	shalt  }
0x75: {  	_ =	shalt  }
0x76: {  	_ =	shalt  }
0x77: {  	_ =	shalt  }
0x78: {  	_ =	shalt  }
0x79: {  	_ =	shalt  }
0x7a: {  	_ =	shalt  }
0x7b: {  	_ =	shalt  }
0x7c: {  	_ =	shalt  }
0x7d: {  	_ =	shalt  }
0x7e: {  	_ =	shalt  }
0x7f: {  	_ =	shalt  }
0x80: {  	_ =	shalt  }
0x81: {  	_ =	shalt  }
0x82: {  	_ =	shalt  }
0x83: {  	_ =	shalt  }
0x84: {  	_ =	shalt  }
0x85: {  	_ =	shalt  }
0x86: {  	_ =	shalt  }
0x87: {  	_ =	shalt  }
.Lfunc_end0:
.L_simem_size_0:
called_computation_lowered:
.L_overlay_start_0:
0x88: {  	s2 =	sld [smem:$0x3FD9]  }
0x89: {  	s3 =	sld [smem:$0x3FFE];
	_ =	sdelay $0x1  }
0x8a: {  	s1 =	srdreg.scid  }
0x8b: {  	s0 =	sand.u32 $0x1, s1  }
0x8c: {  	s29 =	sshll.u32 s0, $0xA;
	s2 =	sadd.s32 s3, s2  }
0x8d: {  	s2 =	sadd.s32 s2, s29  }
0x8e: {  	[smem:$0x3FC6] =	sst s2  }
0x8f: {  	_ = 	snop  }
0x90: {  	s4 =	sld [smem:$0x3FD0];
	_ =	sdelay $0x2  }
0x91: {  	s5 =	simm.s32 $0xA;
	s6 =	simm.s32 $0x10;
	s30 =	sld [smem:$0x3FC8]  }
0x92: {  	[smem:s6], [sflag:s5] =	dma.local [hbm:s4], $0x1  }
0x93: {  	_ =	swait.eq [sflag:s5], $0x1  }
0x94: {  	s31 =	sld [smem:$0x10]  }
0x95: {  	s7 =	sld [smem:$0x12]  }
0x96: {  	s8 =	sld [smem:$0x13]  }
0x97: {  	s9 =	sld [smem:$0x14];
	[sflag:s5] =	ssyncset.done $0x0  }
0x98: {  	s10 =	sld [smem:$0x15];
	[sflag:s5] =	ssyncadd.s32 $0xFFFFFFFF  }
0x99: {  	s4 =	sadd.s32 $0x1, s4;
	s11 =	sld [smem:$0x17]  }
0x9a: {  	[smem:s6], [sflag:s5] =	dma.local [hbm:s4], $0x1  }
0x9b: {  	_ =	swait.eq [sflag:s5], $0x1  }
0x9c: {  	s17 =	sld [smem:$0x10];
	[sflag:s5] =	ssyncset.done $0x0  }
0x9d: {  	s18 =	sld [smem:$0x11];
	[sflag:s5] =	ssyncadd.s32 $0xFFFFFFFF  }
0x9e: {  	s19 =	sld [smem:$0x12];
	(tm) =	ssettm $0x1  }
0x9f: {  	s12 =	sld [smem:$0x3FFB];
	_ =	sdelay $0x3  }
0xa0: {  	_ =	strace s12  }
0xa1: {  	s12 =	sld [smem:$0x3FFC];
	_ =	sdelay $0x3  }
0xa2: {  	_ =	strace s12  }
0xa3: {  	s12 =	sld [smem:$0x3FFD];
	_ =	sdelay $0x3  }
0xa4: {  	_ =	strace s12  }
0xa5: {  	_ =	strace $0x8FFFFFFF  }
0xa6: {  	s20 =	sld [smem:$0x3FDB];
	_ =	sdelay $0x1  }
0xa7: {  	s13 =	simm.s32 $_scs_section_size  }
0xa8: {  	s14 =	simm.s32 $_size__tile_overlayer_lowered;
	s15 =	simm.s32 $_tile_overlayer_lowered  }
0xa9: {  	s23 =	simm.s32 $0x1BFF;
	s22 =	sshll.u32 s15, $0x1;
	s12 =	sadd.s32 s13, s20  }
0xaa: {  	s16 =	simm.s32 $0x0;
	s21 =	sshll.u32 s14, $0x1;
	s14 =	sadd.s32 s22, s12  }
0xab: {  	[timem:s16], [sflag:s23] =	dma.local [hbm:s14], s21  }
0xac: {  	_ =	swait.ge [sflag:s23], s21  }
0xad: {  	s13 =	ssub.s32 $0x0, s21;
	[sflag:s23] =	ssyncset.done $0x0  }
0xae: {  	[sflag:s23] =	ssyncadd.s32 s13;
	_ =	sdelay $0x1  }
0xaf: {  	s24 =	simm.s32 $0x1B8B  }
0xb0: {  	_ =	swait.ge [sflag:s24], $0x1  }
0xb1: {  	[sflag:s24] =	ssyncset.done $0x0  }
0xb2: {  	s25 =	simm.s32 $0x1B8E;
	[sflag:s24] =	ssyncadd.s32 $0xFFFFFFFF  }
0xb3: {  	s26 =	simm.s32 $execute0_lowered;
	[smem:$0x3FD2] =	sst s25  }
0xb4: {  	s13 =	sshll.u32 s26, $0x1;
	_ =	strace $0x80000046;
	[dreg:$0x1] =	wrdreg $0xFFFFFFFF  }
0xb5: {  	s28 =	simm.s32 $_size_execute0_lowered;
	s12 =	sadd.s32 s12, s13;
	[dreg:$0x0] =	wrdreg $0x0  }
0xb6: {  	s13 =	sshll.u32 s28, $0x1;
	[dreg:$0x2] =	wrdreg s12  }
0xb7: {  	[dreg:$0x3] =	wrdreg s13  }
0xb8: {  	[dreg:$0x4] =	wrdreg $0xC0  }
0xb9: {  	_ =	task [dreg:s16], $0x5FFFF  }
0xba: {  	[dreg:$0x1] =	wrdreg $0xFFFFFFFF  }
0xbb: {  	[dreg:$0x0] =	wrdreg $0x60  }
0xbc: {  	[dreg:$0x2] =	wrdreg s30  }
0xbd: {  	[dreg:$0x3] =	wrdreg s7  }
0xbe: {  	[dreg:$0x4] =	wrdreg s8  }
0xbf: {  	[dreg:$0x5] =	wrdreg s9  }
0xc0: {  	[dreg:$0x6] =	wrdreg s10  }
0xc1: {  	[dreg:$0x7] =	wrdreg s17  }
0xc2: {  	[dreg:$0x8] =	wrdreg s11  }
0xc3: {  	[dreg:$0x9] =	wrdreg s19  }
0xc4: {  	[dreg:$0xa] =	wrdreg s18  }
0xc5: {  	[dreg:$0xb] =	wrdreg s31  }
0xc6: {  	[dreg:$0xc] =	wrdreg $0x9E000  }
0xc7: {  	[dreg:$0xd] =	wrdreg $0xAA000  }
0xc8: {  	[dreg:$0xe] =	wrdreg $0x9  }
0xc9: {  	_ =	task.clear_ibuf [dreg:s16], $0xFFFFF;
	_ =	strace $0x90000046  }
0xca: {  	s29 =	simm.s32 $0x9;
	_ =	strace $0x80000048  }
0xcb: {  	_ =	swait.ge [sflag:s29], $0x1  }
0xcc: {  	[sflag:s29] =	ssyncadd.s32 $0xFFFFFFFF  }
0xcd: {  	_ =	strace $0x90000048  }
0xce: {  	_ =	sfence  }
0xcf: {  	s30 =	sld [smem:$0x0];
	_ =	sdelay $0x2  }
0xd0: {  	s31 =	sshll.u32 s1, $0xD;
	s1 =	sshrl.u32 s1, $0x2  }
0xd1: {  	s3 =	sand.u32 $0x4000, s31;
	s1 =	sadd.s32 s1, s30  }
0xd2: {  	s0 =	sor.u32 s3, s0;
	s1 =	sshll.u32 s1, $0x11  }
0xd3: {  	s0 =	sor.u32 s1, s0  }
0xd4: {  	s0 =	sadd.s32 $0x8F2B, s0  }
0xd5: {  	[sflag:s0] =	ssyncadd.remote.s32 $0x1  }
0xd6: {  	_ =	sfence.sel $0xFFFF  }
0xd7: {  	[dreg:$0x0] =	wrdreg $0xFFFFFFFF;
	(pc) =	sbr.abs _section_cstart, $3  }
0xd8: {  	[dreg:$0x1] =	wrdreg $0xFFFFFFFF  }
0xd9: {  	_ =	task.clear_ibuf [dreg:s16], $0x2FFFF;
	_ =	strace $0x9FFFFFFF  }
0xda: {  	(tm) =	ssettm $0x7FFFFFFF  }
0xdb: {  	_ =	shalt  }
tec
execute0_lowered:
.L_overlay_start_1:
0x0: {  	(tag) =	ssettag $0x1  }
0x1: {  	s0 =	rddreg [dreg:$0x0]  }
0x2: {  	s1 =	rddreg [dreg:$0x1]  }
0x3: {  	s3 =	rddreg [dreg:$0x2]  }
0x4: {  	s4 =	rddreg [dreg:$0x3]  }
0x5: {  	s5 =	rddreg [dreg:$0x4]  }
0x6: {  	s6 =	rddreg [dreg:$0x5]  }
0x7: {  	s7 =	rddreg [dreg:$0x6]  }
0x8: {  	s8 =	rddreg [dreg:$0x7]  }
0x9: {  	s9 =	rddreg [dreg:$0x8]  }
0xa: {  	s10 =	rddreg [dreg:$0x9]  }
0xb: {  	s12 =	rddreg [dreg:$0xa]  }
0xc: {  	s13 =	rddreg [dreg:$0xb];
	s2 =	srdreg.scid  }
0xd: {  	s26 =	stileid.u32;
	s28 =	simm.s32 $0x3800;
	s29 =	simm.s32 $0x2400  }
0xe: {  	s30 =	simm.s32 $0x2C00;
	s31 =	simm.s32 $0x4800;
	s11 =	sand.u32 $0x1, s2  }
0xf: {  	s2 =	simm.s32 $0x0;
	s18 =	sshll.u32 s26, $0x7;
	p0 =	sgt.u32 s26, $0xB  }
0x10: {  	s14 =	sshll.u32 s11, $0x4;
	[smem:$0x7FF] =	sst s2;
	s11 =	ssub.s32 $0x2, s11  }
0x11: {  	s15 =	ssub.s32 s26, s14;
	_ =	strace $0x80000047;
	s16 =	sshrl.u32 s11, $0x1  }
0x12: {  	s19 =	sor.u32 s26, s14;
	s26 =	simm.s32 $0x2800;
	s15 =	sadd.s32 $0x10, s15  }
0x13: {  	s20 =	ssub.s32 s11, s16;
	s22 =	sshll.u32 s19, $0x9;
	s17 =	smul.u32 $0x600, s19  }
0x14: {  	s19 =	sshll.u32 s19, $0x7;
	s21 =	sshll.u32 s15, $0x9;
	s11 =	sadd.s32 s0, s22  }
0x15: {  	s24 =	sadd.s32 s1, s19;
	s25 =	smul.u32 $0x1800, s15;
	s15 =	sadd.s32 s4, s19  }
0x16: {  	s4 =	sadd.s32 s3, s22;
	s5 =	sadd.s32 s5, s22;
	s16 =	sadd.s32 s10, s22  }
0x17: {  	s22 =	sadd.s32 s18, s13;
	s20 =	smax.u32 s20, $0x1;
	[dreg:$0xe] =	wrdreg s24  }
0x18: {  	s1 =	simm.s32 $0x2;
	s3 =	simm.s32 $0x9200;
	[dreg:$0xf] =	wrdreg s4  }
0x19: {  	s14 =	sand.u32 $0x1FFFFE00, s21;
	s23 =	sadd.s32 s17, s12;
	[dreg:$0x10] =	wrdreg s5  }
0x1a: {  	s21 =	sadd.s32 s18, s12;
	[dreg:$0x13] =	wrdreg s22;
	s17 =	sadd.s32 s17, s13  }
0x1b: {  	s18 =	sadd.s32 $0xC000, s13;
	s24 =	sadd.s32 s7, s19;
	s22 =	simm.s32 $0x6800  }
0x1c: {  	s13 =	simm.s32 $0x7E00;
	s4 =	simm.s32 $0x9800;
	s5 =	simm.s32 $0x3000  }
0x1d: {  	s7 =	simm.s32 $0x3;
	s14 =	sadd.s32 s0, s14;
	[dreg:$0xd] =	wrdreg s23  }
0x1e: {  	v0 =	vlaneseq.u32;
	v1 =	vimm.s32 $0x0;
	s0 =	sshra.s32 s25, $0x2;
	[dreg:$0x12] =	wrdreg s21;
	s23 =	sadd.s32 s6, s19  }
0x1f: {  	v2 =	vor.u32 $0x10, v0;
	v3 =	vor.u32 $0x20, v0;
	v4 =	vor.u32 $0x30, v0;
	[dreg:$0x15] =	wrdreg s24;
	s25 =	sadd.s32 s8, s19;
	s19 =	sadd.s32 s9, s19  }
0x20: {  	v5 =	vor.u32 $0x40, v0;
	v6 =	vor.u32 $0x50, v0;
	v7 =	vor.u32 $0x60, v0;
	s21 =	simm.s32 $0x1000;
	s24 =	simm.s32 $0x5800;
	s6 =	simm.s32 $0x3400  }
0x21: {  	v8 =	vor.u32 $0x70, v0;
	v9 =	vor.u32 $0x1000, v0;
	v10 =	vor.u32 $0x1010, v0;
	s8 =	simm.s32 $0x0;
	s0 =	sadd.s32 s0, s12;
	[dreg:$0x14] =	wrdreg s23  }
0x22: {  	v11 =	vor.u32 $0x1020, v0;
	v12 =	vor.u32 $0x1030, v0;
	v13 =	vor.u32 $0x1040, v0;
	[dreg:$0x16] =	wrdreg s25;
	s23 =	simm.s32 $0x1;
	s25 =	simm.s32 $0x2000  }
0x23: {  	v14 =	vor.u32 $0x1050, v0;
	v15 =	vor.u32 $0x1060, v0;
	v16 =	vor.u32 $0x1070, v0;
	s12 =	simm.s32 $0x6E00;
	[dreg:$0x11] =	wrdreg s0;
	s0 =	simm.s32 $0x4  }
.LBB2_1:
0x24: {  	[tilespmem:s2], [sflag:$0x1] =	stream.linear.gather [hbm4b:s11+s2], $0x1000, $0x38;
	[tilespmem:$0xB660] =	vst v63  }
0x25: {  	s9 =	simm.s32 $0x10  }
0x26: {  	v17 =	vor.u32 s2, v0;
	[tilespmem:s21], [sflag:$0x2] =	stream.linear.gather [hbm4b:s14+s2], $0x1000, $0x38;
	[tilespmem:$0xB660] =	vst v63  }
.LBB2_2:
0x27: {  	p1 =	sne.s32 s9, $0x5F0  }
.Ltmp0:
0x28: {  	_ = 	snop;
	(pc) =	sbr.rel @p1 .LBB2_2-.Ltmp0, $3  }
0x29: {  	_ =	sdelay $0x1  }
0x2a: {  	[tilespmem:v17+s22+$0x0] =	vst.idx.msk $0xffff, v1;
	s10 =	smov.u32 s9;
	s9 =	sadd.s32 $0x10, s9  }
0x2b: {  	v17 =	vor.u32 s10, v0  }
0x2c: {  	s9 =	simm.s32 $0x0  }
0x2d: {  	v18 =	vmov s9  }
0x2e: {  	v20 =	vor.u32 s9, v0;
	v18 =	vshll.u32 v18, $0x2  }
0x2f: {  	v19 =	vand.u32 $0x7F, v20;
	v18 =	vand.u32 $0xE00, v18  }
0x30: {  	v26 =	vor.u32 v19, v18  }
0x31: {  	[tilespmem:v17+s22+$0x0] =	vst.idx.msk $0xffff, v1;
	v17 =	vor.u32 $0x100, v26  }
0x32: {  	_ =	swait.ge [sflag:s23], $0x1000;
	v18 =	vor.u32 $0x80, v26  }
0x33: {  	[sflag:s23] =	ssyncset.done $0x0;
	v19 =	vor.u32 $0x180, v26  }
0x34: {  	[sflag:s23] =	ssyncadd.s32 $0xFFFFF000  }
0x35: {  	v21 =	vld.idx.msk [tilespmem:v26+s2+$0x0], $0xffff  }
0x36: {  	v22 =	vld.idx.msk [tilespmem:v17+s2+$0x0], $0xffff  }
0x37: {  	v23 =	vld.idx.msk [tilespmem:v18+s2+$0x0], $0xffff  }
0x38: {  	v24 =	vld.idx.msk [tilespmem:v19+s2+$0x0], $0xffff;
	_ =	sdelay $0x3  }
0x39: {  	v28 =	vmul.u32 $0x30, v21;
	v25 =	vadd.s32 $0x8, v22  }
0x3a: {  	v27 =	vadd.s32 $0x8, v23;
	v29 =	vadd.s32 $0x8, v24;
	v25 =	vshra.s32 v25, $0x3  }
0x3b: {  	v27 =	vshra.s32 v27, $0x3;
	v29 =	vshra.s32 v29, $0x3;
	v25 =	vmul.u32 $0x3, v25  }
0x3c: {  	v27 =	vadd.s32 v28, v27;
	v29 =	vmul.u32 $0xC, v29  }
0x3d: {  	v25 =	vadd.s32 v25, v27  }
0x3e: {  	v25 =	vadd.s32 v29, v25  }
0x3f: {  	(xrf1) =	vunique.msk.u32 $0xffff, v25;
	_ =	sdelay $0x5  }
0x40: {  	v27 =	vadd.s32 $0x4, v22  }
0x41: {  	v60 =	vadd.s32 $0x4, v24;
	v30 =	vadd.s32 $0x4, v23;
	v31 =	vshra.s32 v27, $0x3  }
0x42: {  	v32 =	vshra.s32 v60, $0x3;
	v33 =	vshra.s32 v30, $0x3;
	v31 =	vmul.u32 $0x3, v31  }
0x43: {  	v32 =	vmul.u32 $0xC, v32;
	v28 =	vadd.s32 v28, v33  }
0x44: {  	[tilespmem:v26+s24+$0x0] =	vst.idx.msk $0xffff, v21;
	v28 =	vadd.s32 v31, v28  }
0x45: {  	[tilespmem:v18+s24+$0x0] =	vst.idx.msk $0xffff, v23;
	v21 =	vadd.s32 v32, v28  }
0x46: {  	[tilespmem:v17+s24+$0x0] =	vst.idx.msk $0xffff, v22;
	(xrf1) =	vunique.msk.u32 $0xffff, v21  }
0x47: {  	[tilespmem:v19+s24+$0x0] =	vst.idx.msk $0xffff, v24  }
0x48: {  	v19 =	vld.idx.msk [tilespmem:v25+s22+$0x0], $0xffff;
	_, v61, vm0 =	vpop (xrf1);
	_ =	sdelay $0x4  }
0x49: {  	v19 =	vadd.s32 v19, v61  }
0x4a: {  	[tilespmem:v25+s22+$0x0] =	vst.idx.msk vm0, v19  }
0x4b: {  	v62 =	vadd.s32 $0x300, v21;
	v19 =	vadd.s32 $0xFFFFFFFF, v19;
	[tilespmem:v20+s25+$0x0] =	vst.idx.msk $0xffff, v25  }
0x4c: {  	v23 =	vand.u32 $0x7, v23;
	[tilespmem:v20+s26+$0x0] =	vst.idx.msk $0xffff, v19  }
0x4d: {  	v19 =	vand.u32 $0x7, v22;
	[tilespmem:v26+s28+$0x0] =	vst.idx.msk $0xffff, v23  }
0x4e: {  	v22 =	vand.u32 $0x7, v24;
	[tilespmem:v18+s28+$0x0] =	vst.idx.msk $0xffff, v19  }
0x4f: {  	[tilespmem:v17+s28+$0x0] =	vst.idx.msk $0xffff, v22  }
0x50: {  	_, v23, vm15 =	vpop (xrf1);
	v22 =	vld.idx.msk [tilespmem:v62+s22+$0x0], $0xffff;
	_ =	sdelay $0x2  }
0x51: {  	s10 =	simm.s32 $0x10  }
0x52: {  	v24 =	vmov s10  }
0x53: {  	v24 =	vshll.u32 v24, $0x2;
	v19 =	vor.u32 s10, v0;
	v22 =	vadd.s32 v23, v22  }
0x54: {  	v24 =	vand.u32 $0xE00, v24;
	v23 =	vand.u32 $0x7F, v19;
	[tilespmem:v62+s22+$0x0] =	vst.idx.msk vm15, v22  }
0x55: {  	v25 =	vadd.s32 $0xFFFFFFFF, v22;
	v24 =	vor.u32 v23, v24;
	[tilespmem:v20+s29+$0x0] =	vst.idx.msk $0xffff, v21  }
0x56: {  	v63 =	vand.u32 $0x7, v30;
	v22 =	vor.u32 $0x100, v24;
	v21 =	vor.u32 $0x180, v24;
	[tilespmem:v20+s30+$0x0] =	vst.idx.msk $0xffff, v25  }
0x57: {  	s9 =	simm.s32 $0x20;
	v23 =	vor.u32 $0x80, v24;
	v25 =	vand.u32 $0x7, v27;
	v20 =	vmovc v24;
	[tilespmem:v26+s31+$0x0] =	vst.idx.msk $0xffff, v63;
	v26 =	vand.u32 $0x7, v60  }
.LBB2_4:
0x58: {  	p1 =	sne.s32 s9, $0x3F0;
	[tilespmem:v18+s31+$0x0] =	vst.idx.msk $0xffff, v25;
	v18 =	vmov v23;
	s10 =	smov.u32 s9;
	s9 =	sadd.s32 $0x10, s9  }
0x59: {  	[tilespmem:v17+s31+$0x0] =	vst.idx.msk $0xffff, v26;
	v17 =	vmov v22  }
0x5a: {  	v24 =	vld.idx.msk [tilespmem:v24+s2+$0x0], $0xffff  }
0x5b: {  	v22 =	vld.idx.msk [tilespmem:v22+s2+$0x0], $0xffff  }
0x5c: {  	v23 =	vld.idx.msk [tilespmem:v23+s2+$0x0], $0xffff  }
0x5d: {  	v25 =	vld.idx.msk [tilespmem:v21+s2+$0x0], $0xffff;
	_ =	sdelay $0x3  }
0x5e: {  	v26 =	vadd.s32 $0x8, v22;
	v27 =	vadd.s32 $0x4, v22  }
0x5f: {  	v29 =	vmul.u32 $0x30, v24;
	v28 =	vadd.s32 $0x8, v23;
	v26 =	vshra.s32 v26, $0x3  }
0x60: {  	v30 =	vadd.s32 $0x8, v25;
	v26 =	vmul.u32 $0x3, v26;
	v28 =	vshra.s32 v28, $0x3  }
0x61: {  	v31 =	vadd.s32 $0x4, v25;
	v30 =	vshra.s32 v30, $0x3;
	v28 =	vadd.s32 v29, v28  }
0x62: {  	v30 =	vmul.u32 $0xC, v30;
	v26 =	vadd.s32 v26, v28;
	v28 =	vshra.s32 v31, $0x3  }
0x63: {  	v32 =	vadd.s32 $0x4, v23;
	v33 =	vshra.s32 v27, $0x3;
	v28 =	vmul.u32 $0xC, v28  }
0x64: {  	v26 =	vadd.s32 v30, v26;
	v30 =	vmul.u32 $0x3, v33;
	v33 =	vshra.s32 v32, $0x3  }
0x65: {  	v29 =	vadd.s32 v29, v33;
	(xrf1) =	vunique.msk.u32 $0xffff, v26  }
0x66: {  	v29 =	vadd.s32 v30, v29;
	_ =	sdelay $0x6  }
0x67: {  	[tilespmem:v20+s24+$0x0] =	vst.idx.msk $0xffff, v24  }
0x68: {  	[tilespmem:v18+s24+$0x0] =	vst.idx.msk $0xffff, v23  }
0x69: {  	[tilespmem:v17+s24+$0x0] =	vst.idx.msk $0xffff, v22  }
0x6a: {  	[tilespmem:v21+s24+$0x0] =	vst.idx.msk $0xffff, v25;
	v21 =	vadd.s32 v28, v29  }
0x6b: {  	v24 =	vld.idx.msk [tilespmem:v26+s22+$0x0], $0xffff;
	(xrf1) =	vunique.msk.u32 $0xffff, v21;
	_ =	sdelay $0x1  }
0x6c: {  	_, v28, vm0 =	vpop (xrf1);
	_ =	sdelay $0x3  }
0x6d: {  	v24 =	vadd.s32 v24, v28;
	_ =	sdelay $0x1  }
0x6e: {  	v28 =	vadd.s32 $0x300, v21;
	[tilespmem:v26+s22+$0x0] =	vst.idx.msk vm0, v24;
	v24 =	vadd.s32 $0xFFFFFFFF, v24  }
0x6f: {  	v23 =	vand.u32 $0x7, v23;
	[tilespmem:v19+s25+$0x0] =	vst.idx.msk $0xffff, v26  }
0x70: {  	v22 =	vand.u32 $0x7, v22;
	[tilespmem:v19+s26+$0x0] =	vst.idx.msk $0xffff, v24  }
0x71: {  	v24 =	vand.u32 $0x7, v25;
	[tilespmem:v20+s28+$0x0] =	vst.idx.msk $0xffff, v23  }
0x72: {  	[tilespmem:v18+s28+$0x0] =	vst.idx.msk $0xffff, v22  }
0x73: {  	[tilespmem:v17+s28+$0x0] =	vst.idx.msk $0xffff, v24  }
0x74: {  	v22 =	vld.idx.msk [tilespmem:v28+s22+$0x0], $0xffff;
	_, v23, vm0 =	vpop (xrf1);
	_ =	sdelay $0x4  }
0x75: {  	v24 =	vmov s10  }
.Ltmp1:
0x76: {  	v26 =	vor.u32 s10, v0;
	v24 =	vshll.u32 v24, $0x2;
	v22 =	vadd.s32 v23, v22;
	(pc) =	sbr.rel @p1 .LBB2_4-.Ltmp1, $4  }
0x77: {  	v24 =	vand.u32 $0xE00, v24;
	v23 =	vand.u32 $0x7F, v26;
	v25 =	vadd.s32 $0xFFFFFFFF, v22;
	[tilespmem:v28+s22+$0x0] =	vst.idx.msk vm0, v22  }
0x78: {  	v24 =	vor.u32 v23, v24;
	v28 =	vand.u32 $0x7, v32;
	[tilespmem:v19+s29+$0x0] =	vst.idx.msk $0xffff, v21  }
0x79: {  	v22 =	vor.u32 $0x100, v24;
	v21 =	vor.u32 $0x180, v24;
	[tilespmem:v19+s30+$0x0] =	vst.idx.msk $0xffff, v25;
	v25 =	vand.u32 $0x7, v27;
	v19 =	vmovc v26  }
0x7a: {  	v23 =	vor.u32 $0x80, v24;
	v26 =	vand.u32 $0x7, v31;
	[tilespmem:v20+s31+$0x0] =	vst.idx.msk $0xffff, v28;
	v20 =	vmov v24  }
0x7b: {  	_ =	sdelay $0x3  }
0x7c: {  	[tilespmem:v18+s31+$0x0] =	vst.idx.msk $0xffff, v25  }
0x7d: {  	[tilespmem:v17+s31+$0x0] =	vst.idx.msk $0xffff, v26  }
0x7e: {  	v17 =	vld.idx.msk [tilespmem:v24+s2+$0x0], $0xffff  }
0x7f: {  	v18 =	vld.idx.msk [tilespmem:v22+s2+$0x0], $0xffff  }
0x80: {  	v56 =	vld.idx.msk [tilespmem:v23+s2+$0x0], $0xffff  }
0x81: {  	v25 =	vld.idx.msk [tilespmem:v21+s2+$0x0], $0xffff;
	_ =	sdelay $0x3  }
0x82: {  	v57 =	vadd.s32 $0x8, v18;
	v27 =	vadd.s32 $0x8, v56  }
0x83: {  	v28 =	vmul.u32 $0x30, v17;
	v29 =	vadd.s32 $0x8, v25;
	v26 =	vshra.s32 v57, $0x3  }
0x84: {  	v27 =	vshra.s32 v27, $0x3;
	v29 =	vshra.s32 v29, $0x3;
	v26 =	vmul.u32 $0x3, v26  }
0x85: {  	v27 =	vadd.s32 v28, v27;
	v29 =	vmul.u32 $0xC, v29  }
0x86: {  	v26 =	vadd.s32 v26, v27  }
0x87: {  	v26 =	vadd.s32 v29, v26  }
0x88: {  	(xrf1) =	vunique.msk.u32 $0xffff, v26;
	_ =	sdelay $0x5  }
0x89: {  	v58 =	vadd.s32 $0x4, v18  }
0x8a: {  	v59 =	vadd.s32 $0x4, v25;
	v30 =	vadd.s32 $0x4, v56;
	v31 =	vshra.s32 v58, $0x3  }
0x8b: {  	v32 =	vshra.s32 v59, $0x3;
	v33 =	vshra.s32 v30, $0x3;
	v31 =	vmul.u32 $0x3, v31  }
0x8c: {  	v32 =	vmul.u32 $0xC, v32;
	v28 =	vadd.s32 v28, v33  }
0x8d: {  	[tilespmem:v20+s24+$0x0] =	vst.idx.msk $0xffff, v17;
	v28 =	vadd.s32 v31, v28  }
0x8e: {  	[tilespmem:v23+s24+$0x0] =	vst.idx.msk $0xffff, v56;
	v17 =	vadd.s32 v32, v28  }
0x8f: {  	[tilespmem:v22+s24+$0x0] =	vst.idx.msk $0xffff, v18;
	(xrf1) =	vunique.msk.u32 $0xffff, v17  }
0x90: {  	[tilespmem:v21+s24+$0x0] =	vst.idx.msk $0xffff, v25  }
0x91: {  	v21 =	vld.idx.msk [tilespmem:v26+s22+$0x0], $0xffff;
	_, v60, vm0 =	vpop (xrf1);
	_ =	sdelay $0x4  }
0x92: {  	v21 =	vadd.s32 v21, v60  }
0x93: {  	[tilespmem:v26+s22+$0x0] =	vst.idx.msk vm0, v21  }
0x94: {  	v61 =	vadd.s32 $0x300, v17;
	v21 =	vadd.s32 $0xFFFFFFFF, v21;
	[tilespmem:v19+s25+$0x0] =	vst.idx.msk $0xffff, v26  }
0x95: {  	v24 =	vand.u32 $0x7, v56;
	[tilespmem:v19+s26+$0x0] =	vst.idx.msk $0xffff, v21  }
0x96: {  	v18 =	vand.u32 $0x7, v18;
	[tilespmem:v20+s28+$0x0] =	vst.idx.msk $0xffff, v24  }
0x97: {  	v62 =	vand.u32 $0x7, v25;
	[tilespmem:v23+s28+$0x0] =	vst.idx.msk $0xffff, v18  }
0x98: {  	[tilespmem:v22+s28+$0x0] =	vst.idx.msk $0xffff, v62  }
0x99: {  	_, v63, vm15 =	vpop (xrf1);
	v18 =	vld.idx.msk [tilespmem:v61+s22+$0x0], $0xffff;
	_ =	sdelay $0x4  }
0x9a: {  	v18 =	vadd.s32 v63, v18  }
0x9b: {  	[tilespmem:v61+s22+$0x0] =	vst.idx.msk vm15, v18  }
0x9c: {  	v18 =	vadd.s32 $0xFFFFFFFF, v18;
	[tilespmem:v19+s29+$0x0] =	vst.idx.msk $0xffff, v17  }
0x9d: {  	v17 =	vand.u32 $0x7, v30;
	[tilespmem:v19+s30+$0x0] =	vst.idx.msk $0xffff, v18  }
0x9e: {  	v18 =	vand.u32 $0x7, v58;
	[tilespmem:v20+s31+$0x0] =	vst.idx.msk $0xffff, v17  }
0x9f: {  	v17 =	vand.u32 $0x7, v59;
	[tilespmem:v23+s31+$0x0] =	vst.idx.msk $0xffff, v18  }
0xa0: {  	s9 =	rddreg [dreg:$0xd];
	[tilespmem:v22+s31+$0x0] =	vst.idx.msk $0xffff, v17  }
0xa1: {  	[spmem:s9] =	stream.linear.scatter [tilespmem:s22], [sflag:$0x4], $0x600, $0x38;
	[tilespmem:$0xB660] =	vst v63  }
0xa2: {  	_ =	swait.ge [sflag:s0], $0x600  }
0xa3: {  	[sflag:s0] =	ssyncset.done $0x0  }
0xa4: {  	s10 =	simm.s32 $0x0;
	s9 =	rddreg [dreg:$0xe];
	[sflag:s0] =	ssyncadd.s32 $0xFFFFFA00  }
0xa5: {  	[hbm4b:s9+s10] =	stream.linear.scatter [tilespmem:s25], [sflag:$0x3], $0x400, $0x38;
	[tilespmem:$0xB660] =	vst v63  }
0xa6: {  	_ = 	snop  }
0xa7: {  	[hbm4b:s15+s10] =	stream.linear.scatter [tilespmem:s29], [sflag:$0x3], $0x400, $0x38;
	[tilespmem:$0xB660] =	vst v63  }
0xa8: {  	s9 =	rddreg [dreg:$0xf]  }
0xa9: {  	[hbm4b:s9+s10] =	stream.linear.scatter [tilespmem:s28], [sflag:$0x3], $0x1000, $0x38;
	[tilespmem:$0xB660] =	vst v63  }
0xaa: {  	s9 =	rddreg [dreg:$0x10]  }
0xab: {  	[hbm4b:s9+s10] =	stream.linear.scatter [tilespmem:s31], [sflag:$0x3], $0x1000, $0x38;
	[tilespmem:$0xB660] =	vst v63  }
0xac: {  	s9 =	simm.s32 $0x10  }
0xad: {  	v17 =	vor.u32 s10, v0;
	[hbm4b:s16+s10] =	stream.linear.scatter [tilespmem:s24], [sflag:$0x3], $0x1000, $0x38;
	[tilespmem:$0xB660] =	vst v63  }
.LBB2_6:
0xae: {  	p1 =	sne.s32 s9, $0x5F0  }
.Ltmp2:
0xaf: {  	_ = 	snop;
	(pc) =	sbr.rel @p1 .LBB2_6-.Ltmp2, $3  }
0xb0: {  	_ =	sdelay $0x1  }
0xb1: {  	[tilespmem:v17+s22+$0x0] =	vst.idx.msk $0xffff, v1;
	s10 =	smov.u32 s9;
	s9 =	sadd.s32 $0x10, s9  }
0xb2: {  	v17 =	vor.u32 s10, v0  }
0xb3: {  	s9 =	simm.s32 $0x0  }
0xb4: {  	v18 =	vmov s9  }
0xb5: {  	v19 =	vor.u32 s9, v0;
	v18 =	vshll.u32 v18, $0x2  }
0xb6: {  	v19 =	vand.u32 $0x7F, v19;
	v18 =	vand.u32 $0xE00, v18  }
0xb7: {  	v18 =	vor.u32 v19, v18  }
0xb8: {  	[tilespmem:v17+s22+$0x0] =	vst.idx.msk $0xffff, v1;
	v17 =	vor.u32 $0x180, v18  }
0xb9: {  	_ =	swait.ge [sflag:s1], $0x1000;
	v19 =	vor.u32 $0x100, v18  }
0xba: {  	[sflag:s1] =	ssyncset.done $0x0;
	v20 =	vor.u32 $0x80, v18  }
0xbb: {  	[sflag:s1] =	ssyncadd.s32 $0xFFFFF000  }
0xbc: {  	v18 =	vld.idx.msk [tilespmem:v18+s21+$0x0], $0xffff  }
0xbd: {  	v17 =	vld.idx.msk [tilespmem:v17+s21+$0x0], $0xffff  }
0xbe: {  	v19 =	vld.idx.msk [tilespmem:v19+s21+$0x0], $0xffff  }
0xbf: {  	v20 =	vld.idx.msk [tilespmem:v20+s21+$0x0], $0xffff;
	_ =	sdelay $0x3  }
0xc0: {  	v18 =	vmul.u32 $0x30, v18;
	v22 =	vadd.s32 $0x8, v19  }
0xc1: {  	v21 =	vadd.s32 $0x8, v17;
	v23 =	vadd.s32 $0x8, v20;
	v22 =	vshra.s32 v22, $0x3  }
0xc2: {  	v21 =	vshra.s32 v21, $0x3;
	v23 =	vshra.s32 v23, $0x3;
	v22 =	vmul.u32 $0x3, v22  }
0xc3: {  	v21 =	vmul.u32 $0xC, v21;
	v23 =	vadd.s32 v18, v23  }
0xc4: {  	v22 =	vadd.s32 v22, v23  }
0xc5: {  	v21 =	vadd.s32 v21, v22  }
0xc6: {  	(xrf1) =	vunique.msk.u32 $0xffff, v21  }
0xc7: {  	v19 =	vadd.s32 $0x4, v19  }
0xc8: {  	v17 =	vadd.s32 $0x4, v17;
	v20 =	vadd.s32 $0x4, v20;
	v19 =	vshra.s32 v19, $0x3  }
0xc9: {  	v17 =	vshra.s32 v17, $0x3;
	v20 =	vshra.s32 v20, $0x3;
	v19 =	vmul.u32 $0x3, v19  }
0xca: {  	v18 =	vadd.s32 v18, v20;
	v17 =	vmul.u32 $0xC, v17  }
0xcb: {  	v18 =	vadd.s32 v19, v18  }
0xcc: {  	v17 =	vadd.s32 v17, v18  }
0xcd: {  	(xrf1) =	vunique.msk.u32 $0xffff, v17;
	_ =	sdelay $0x6  }
0xce: {  	v18 =	vld.idx.msk [tilespmem:v21+s22+$0x0], $0xffff;
	_, v19, vm0 =	vpop (xrf1);
	_ =	sdelay $0x1  }
0xcf: {  	s10 =	simm.s32 $0x10;
	v17 =	vadd.s32 $0x300, v17  }
0xd0: {  	v22 =	vor.u32 s10, v0  }
0xd1: {  	v20 =	vmov s10  }
0xd2: {  	v20 =	vshll.u32 v20, $0x2;
	v18 =	vadd.s32 v18, v19  }
0xd3: {  	v20 =	vand.u32 $0xE00, v20;
	v19 =	vand.u32 $0x7F, v22;
	[tilespmem:v21+s22+$0x0] =	vst.idx.msk vm0, v18  }
0xd4: {  	v19 =	vor.u32 v19, v20;
	_, v22, vm0 =	vpop (xrf1);
	v20 =	vld.idx.msk [tilespmem:v17+s22+$0x0], $0xffff;
	_ =	sdelay $0x2  }
0xd5: {  	s9 =	simm.s32 $0x20;
	v23 =	vor.u32 $0x180, v19;
	v18 =	vor.u32 $0x80, v19;
	v21 =	vor.u32 $0x100, v19  }
.LBB2_8:
0xd6: {  	_ = 	snop  }
0xd7: {  	p1 =	sne.s32 s9, $0x3F0;
	v20 =	vadd.s32 v20, v22;
	s10 =	smov.u32 s9;
	s9 =	sadd.s32 $0x10, s9  }
0xd8: {  	[tilespmem:v17+s22+$0x0] =	vst.idx.msk vm0, v20  }
0xd9: {  	v17 =	vld.idx.msk [tilespmem:v19+s21+$0x0], $0xffff  }
0xda: {  	v19 =	vld.idx.msk [tilespmem:v23+s21+$0x0], $0xffff  }
0xdb: {  	v20 =	vld.idx.msk [tilespmem:v21+s21+$0x0], $0xffff  }
0xdc: {  	v18 =	vld.idx.msk [tilespmem:v18+s21+$0x0], $0xffff;
	_ =	sdelay $0x3  }
0xdd: {  	v17 =	vmul.u32 $0x30, v17;
	v21 =	vadd.s32 $0x8, v19;
	v19 =	vadd.s32 $0x4, v19  }
0xde: {  	v22 =	vadd.s32 $0x8, v20;
	v21 =	vshra.s32 v21, $0x3;
	v20 =	vadd.s32 $0x4, v20  }
0xdf: {  	v19 =	vshra.s32 v19, $0x3;
	v23 =	vadd.s32 $0x8, v18;
	v22 =	vshra.s32 v22, $0x3  }
0xe0: {  	v18 =	vadd.s32 $0x4, v18;
	v22 =	vmul.u32 $0x3, v22;
	v23 =	vshra.s32 v23, $0x3  }
0xe1: {  	v21 =	vmul.u32 $0xC, v21;
	v18 =	vshra.s32 v18, $0x3;
	v23 =	vadd.s32 v17, v23  }
0xe2: {  	v20 =	vshra.s32 v20, $0x3;
	v17 =	vadd.s32 v17, v18;
	v22 =	vadd.s32 v22, v23  }
0xe3: {  	v20 =	vmul.u32 $0x3, v20;
	v18 =	vadd.s32 v21, v22  }
0xe4: {  	v19 =	vmul.u32 $0xC, v19;
	(xrf1) =	vunique.msk.u32 $0xffff, v18  }
0xe5: {  	v17 =	vadd.s32 v20, v17  }
0xe6: {  	v17 =	vadd.s32 v19, v17;
	_ =	sdelay $0x5  }
0xe7: {  	(xrf1) =	vunique.msk.u32 $0xffff, v17;
	_ =	sdelay $0x4  }
0xe8: {  	v19 =	vld.idx.msk [tilespmem:v18+s22+$0x0], $0xffff  }
0xe9: {  	_, v20, vm0 =	vpop (xrf1);
	_ =	sdelay $0x1  }
0xea: {  	v17 =	vadd.s32 $0x300, v17;
	_ =	sdelay $0x2  }
0xeb: {  	v19 =	vadd.s32 v19, v20  }
0xec: {  	[tilespmem:v18+s22+$0x0] =	vst.idx.msk vm0, v19  }
.Ltmp3:
0xed: {  	v18 =	vmov s10;
	v20 =	vld.idx.msk [tilespmem:v17+s22+$0x0], $0xffff;
	(pc) =	sbr.rel @p1 .LBB2_8-.Ltmp3, $4  }
0xee: {  	v19 =	vor.u32 s10, v0;
	v18 =	vshll.u32 v18, $0x2;
	_, v22, vm0 =	vpop (xrf1)  }
0xef: {  	v19 =	vand.u32 $0x7F, v19;
	v18 =	vand.u32 $0xE00, v18  }
0xf0: {  	v19 =	vor.u32 v19, v18  }
0xf1: {  	v18 =	vor.u32 $0x80, v19;
	v21 =	vor.u32 $0x100, v19;
	v23 =	vor.u32 $0x180, v19  }
0xf2: {  	_ =	sdelay $0x3  }
0xf3: {  	v20 =	vadd.s32 v20, v22  }
0xf4: {  	[tilespmem:v17+s22+$0x0] =	vst.idx.msk vm0, v20  }
0xf5: {  	v17 =	vld.idx.msk [tilespmem:v19+s21+$0x0], $0xffff  }
0xf6: {  	v19 =	vld.idx.msk [tilespmem:v23+s21+$0x0], $0xffff  }
0xf7: {  	v20 =	vld.idx.msk [tilespmem:v21+s21+$0x0], $0xffff  }
0xf8: {  	v18 =	vld.idx.msk [tilespmem:v18+s21+$0x0], $0xffff;
	_ =	sdelay $0x3  }
0xf9: {  	v61 =	vadd.s32 $0x8, v19;
	v62 =	vadd.s32 $0x8, v20  }
0xfa: {  	v17 =	vmul.u32 $0x30, v17;
	v63 =	vadd.s32 $0x8, v18;
	v22 =	vshra.s32 v62, $0x3  }
0xfb: {  	v21 =	vshra.s32 v61, $0x3;
	v23 =	vshra.s32 v63, $0x3;
	v22 =	vmul.u32 $0x3, v22  }
0xfc: {  	v21 =	vmul.u32 $0xC, v21;
	v23 =	vadd.s32 v17, v23  }
0xfd: {  	v22 =	vadd.s32 v22, v23  }
0xfe: {  	v21 =	vadd.s32 v21, v22  }
0xff: {  	(xrf1) =	vunique.msk.u32 $0xffff, v21  }
0x100: {  	v20 =	vadd.s32 $0x4, v20  }
0x101: {  	v19 =	vadd.s32 $0x4, v19;
	v18 =	vadd.s32 $0x4, v18;
	v20 =	vshra.s32 v20, $0x3  }
0x102: {  	v19 =	vshra.s32 v19, $0x3;
	v18 =	vshra.s32 v18, $0x3;
	v20 =	vmul.u32 $0x3, v20  }
0x103: {  	v17 =	vadd.s32 v17, v18;
	v18 =	vmul.u32 $0xC, v19  }
0x104: {  	v17 =	vadd.s32 v20, v17  }
0x105: {  	v17 =	vadd.s32 v18, v17  }
0x106: {  	(xrf1) =	vunique.msk.u32 $0xffff, v17;
	_ =	sdelay $0x6  }
0x107: {  	v18 =	vld.idx.msk [tilespmem:v21+s22+$0x0], $0xffff;
	_, v19, vm14 =	vpop (xrf1);
	_ =	sdelay $0x1  }
0x108: {  	v17 =	vadd.s32 $0x300, v17;
	_ =	sdelay $0x2  }
0x109: {  	v18 =	vadd.s32 v18, v19  }
0x10a: {  	[tilespmem:v21+s22+$0x0] =	vst.idx.msk vm14, v18  }
0x10b: {  	_, v19, vm15 =	vpop (xrf1);
	v18 =	vld.idx.msk [tilespmem:v17+s22+$0x0], $0xffff;
	_ =	sdelay $0x4  }
0x10c: {  	v18 =	vadd.s32 v18, v19  }
0x10d: {  	s9 =	rddreg [dreg:$0x11];
	[tilespmem:v17+s22+$0x0] =	vst.idx.msk vm15, v18  }
0x10e: {  	[spmem:s9] =	stream.linear.scatter [tilespmem:s22], [sflag:$0x4], $0x600, $0x38;
	[tilespmem:$0xB660] =	vst v63  }
.Ltmp4:
0x10f: {  	_ =	swait.ge [sflag:s0], $0x600;
	(pc) =	sbr.rel @p0 .LBB2_13-.Ltmp4, $3  }
0x110: {  	[sflag:s0] =	ssyncset.done $0x0  }
0x111: {  	[sflag:s0] =	ssyncadd.s32 $0xFFFFFA00  }
0x112: {  	[bflag:$0x0] =	sbarrier.arrive $0xFFFF;
	_ =	sdelay $0x1  }
0x113: {  	s23 =	smov.u32 s20;
	s20 =	smov.u32 s19;
	s19 =	smov.u32 s18  }
0x114: {  	s18 =	smov.u32 s17;
	s17 =	smov.u32 s16;
	s16 =	smov.u32 s15  }
0x115: {  	s15 =	smov.u32 s14;
	s14 =	smov.u32 s11;
	s9 =	simm.s32 $0x0  }
0x116: {  	s10 =	rddreg [dreg:$0x12];
	s11 =	simm.s32 $0x80;
	s1 =	simm.s32 $0x600;
	v18 =	vor.u32 s9, v0  }
0x117: {  	[tilespmem:s12], [sflag:$0x4] =	stream.strided.gather [spmem:s10], $0x1000, s1, s11, $0x38;
	v19 =	vor.u32 s9, v2;
	[tilespmem:$0xB660] =	vst v63  }
0x118: {  	v20 =	vor.u32 s9, v3;
	_ =	swait.ge [sflag:s0], $0x1000  }
0x119: {  	v21 =	vor.u32 s9, v4;
	[sflag:s0] =	ssyncset.done $0x0  }
0x11a: {  	v17 =	vimm.s32 $0x0;
	v22 =	vor.u32 s9, v5;
	[sflag:s0] =	ssyncadd.s32 $0xFFFFF000  }
0x11b: {  	[tilespmem:v18+s13+$0x0] =	vst.idx.msk $0xffff, v17  }
0x11c: {  	v18 =	vld.idx.msk [tilespmem:v18+s12+$0x0], $0xffff;
	[tilespmem:v19+s13+$0x0] =	vst.idx.msk $0xffff, v17  }
0x11d: {  	v19 =	vld.idx.msk [tilespmem:v19+s12+$0x0], $0xffff;
	[tilespmem:v20+s13+$0x0] =	vst.idx.msk $0xffff, v17  }
0x11e: {  	v23 =	vor.u32 s9, v6;
	v24 =	vld.idx.msk [tilespmem:v20+s12+$0x0], $0xffff;
	[tilespmem:v21+s13+$0x0] =	vst.idx.msk $0xffff, v17  }
0x11f: {  	v20 =	vor.u32 s9, v7;
	v21 =	vld.idx.msk [tilespmem:v21+s12+$0x0], $0xffff;
	[tilespmem:v22+s13+$0x0] =	vst.idx.msk $0xffff, v17  }
0x120: {  	v28 =	vld.idx.msk [tilespmem:v22+s12+$0x0], $0xffff;
	v22 =	vor.u32 s9, v8  }
0x121: {  	s9 =	simm.s32 $0x80  }
0x122: {  	v25 =	vor.u32 s9, v0  }
0x123: {  	[tilespmem:v23+s13+$0x0] =	vst.idx.msk $0xffff, v17;
	v31 =	vor.u32 s9, v2  }
0x124: {  	v23 =	vld.idx.msk [tilespmem:v23+s12+$0x0], $0xffff;
	[tilespmem:v20+s13+$0x0] =	vst.idx.msk $0xffff, v17  }
0x125: {  	v29 =	vor.u32 s9, v3;
	v32 =	vld.idx.msk [tilespmem:v20+s12+$0x0], $0xffff;
	[tilespmem:v22+s13+$0x0] =	vst.idx.msk $0xffff, v17  }
0x126: {  	v18 =	vadd.s32 v17, v18;
	v27 =	vld.idx.msk [tilespmem:v22+s12+$0x0], $0xffff  }
0x127: {  	v30 =	vor.u32 s9, v4;
	v20 =	vadd.s32 v17, v19;
	[tilespmem:v25+s13+$0x0] =	vst.idx.msk $0xffff, v18  }
0x128: {  	v21 =	vadd.s32 v17, v21;
	v26 =	vld.idx.msk [tilespmem:v25+s12+$0x0], $0xffff;
	[tilespmem:v31+s13+$0x0] =	vst.idx.msk $0xffff, v20  }
0x129: {  	v19 =	vadd.s32 v17, v28;
	v22 =	vadd.s32 v17, v24;
	v28 =	vld.idx.msk [tilespmem:v31+s12+$0x0], $0xffff;
	v31 =	vor.u32 s9, v5  }
0x12a: {  	s10 =	simm.s32 $0x2;
	v23 =	vadd.s32 v17, v23;
	v25 =	vor.u32 s9, v6;
	[tilespmem:v29+s13+$0x0] =	vst.idx.msk $0xffff, v22;
	v24 =	vadd.s32 v17, v32  }
.LBB2_11:
0x12b: {  	p1 =	sne.s32 s10, $0x1F;
	v29 =	vld.idx.msk [tilespmem:v29+s12+$0x0], $0xffff;
	v17 =	vadd.s32 v17, v27;
	s11 =	smov.u32 s10;
	s10 =	sadd.s32 $0x1, s10  }
0x12c: {  	[tilespmem:v30+s13+$0x0] =	vst.idx.msk $0xffff, v21  }
0x12d: {  	v27 =	vor.u32 s9, v7;
	v18 =	vadd.s32 v18, v26;
	v26 =	vld.idx.msk [tilespmem:v30+s12+$0x0], $0xffff  }
0x12e: {  	[tilespmem:v31+s13+$0x0] =	vst.idx.msk $0xffff, v19  }
0x12f: {  	v30 =	vor.u32 s9, v8;
	v20 =	vadd.s32 v20, v28;
	v28 =	vld.idx.msk [tilespmem:v31+s12+$0x0], $0xffff  }
0x130: {  	s9 =	sshll.u32 s11, $0x7;
	[tilespmem:v25+s13+$0x0] =	vst.idx.msk $0xffff, v23  }
0x131: {  	v31 =	vor.u32 s9, v0;
	v22 =	vadd.s32 v22, v29;
	v32 =	vld.idx.msk [tilespmem:v25+s12+$0x0], $0xffff;
	v25 =	vor.u32 s9, v6  }
0x132: {  	[tilespmem:v27+s13+$0x0] =	vst.idx.msk $0xffff, v24  }
0x133: {  	v33 =	vor.u32 s9, v2;
	v21 =	vadd.s32 v21, v26;
	v34 =	vld.idx.msk [tilespmem:v27+s12+$0x0], $0xffff  }
0x134: {  	[tilespmem:v30+s13+$0x0] =	vst.idx.msk $0xffff, v17  }
0x135: {  	v29 =	vor.u32 s9, v3;
	v19 =	vadd.s32 v19, v28;
	v27 =	vld.idx.msk [tilespmem:v30+s12+$0x0], $0xffff  }
.Ltmp5:
0x136: {  	[tilespmem:v31+s13+$0x0] =	vst.idx.msk $0xffff, v18;
	(pc) =	sbr.rel @p1 .LBB2_11-.Ltmp5, $4  }
0x137: {  	v30 =	vor.u32 s9, v4;
	v23 =	vadd.s32 v23, v32;
	v26 =	vld.idx.msk [tilespmem:v31+s12+$0x0], $0xffff  }
0x138: {  	[tilespmem:v33+s13+$0x0] =	vst.idx.msk $0xffff, v20  }
0x139: {  	v31 =	vor.u32 s9, v5;
	v24 =	vadd.s32 v24, v34;
	v28 =	vld.idx.msk [tilespmem:v33+s12+$0x0], $0xffff  }
0x13a: {  	[tilespmem:v29+s13+$0x0] =	vst.idx.msk $0xffff, v22  }
0x13b: {  	_ =	sdelay $0x1  }
0x13c: {  	v32 =	vor.u32 s9, v7  }
0x13d: {  	v33 =	vor.u32 s9, v8  }
0x13e: {  	v29 =	vld.idx.msk [tilespmem:v29+s12+$0x0], $0xffff;
	[tilespmem:v30+s13+$0x0] =	vst.idx.msk $0xffff, v21  }
0x13f: {  	v30 =	vld.idx.msk [tilespmem:v30+s12+$0x0], $0xffff;
	[tilespmem:v31+s13+$0x0] =	vst.idx.msk $0xffff, v19  }
0x140: {  	v31 =	vld.idx.msk [tilespmem:v31+s12+$0x0], $0xffff;
	[tilespmem:v25+s13+$0x0] =	vst.idx.msk $0xffff, v23  }
0x141: {  	v17 =	vadd.s32 v17, v27;
	v25 =	vld.idx.msk [tilespmem:v25+s12+$0x0], $0xffff;
	[tilespmem:v32+s13+$0x0] =	vst.idx.msk $0xffff, v24  }
0x142: {  	v18 =	vadd.s32 v18, v26;
	v61 =	vld.idx.msk [tilespmem:v32+s12+$0x0], $0xffff;
	[tilespmem:v33+s13+$0x0] =	vst.idx.msk $0xffff, v17  }
0x143: {  	v20 =	vadd.s32 v20, v28;
	v62 =	vld.idx.msk [tilespmem:v33+s12+$0x0], $0xffff;
	[tilespmem:v9+s13+$0x0] =	vst.idx.msk $0xffff, v18  }
0x144: {  	v18 =	vadd.s32 v22, v29;
	[tilespmem:v10+s13+$0x0] =	vst.idx.msk $0xffff, v20  }
0x145: {  	v63 =	vadd.s32 v21, v30;
	[tilespmem:v11+s13+$0x0] =	vst.idx.msk $0xffff, v18  }
0x146: {  	v18 =	vadd.s32 v19, v31;
	[tilespmem:v12+s13+$0x0] =	vst.idx.msk $0xffff, v63  }
0x147: {  	v19 =	vadd.s32 v23, v25;
	[tilespmem:v13+s13+$0x0] =	vst.idx.msk $0xffff, v18  }
0x148: {  	v18 =	vadd.s32 v24, v61;
	[tilespmem:v14+s13+$0x0] =	vst.idx.msk $0xffff, v19  }
0x149: {  	v17 =	vadd.s32 v17, v62;
	[tilespmem:v15+s13+$0x0] =	vst.idx.msk $0xffff, v18  }
0x14a: {  	s11 =	rddreg [dreg:$0x13];
	s10 =	simm.s32 $0x80;
	s1 =	simm.s32 $0x600;
	[tilespmem:v16+s13+$0x0] =	vst.idx.msk $0xffff, v17  }
0x14b: {  	[spmem:s11] =	stream.strided.scatter [tilespmem:s13], [sflag:$0x4], $0x1080, s1, s10, $0x38;
	[tilespmem:$0xB660] =	vst v63  }
0x14c: {  	s11 =	smov.u32 s14  }
0x14d: {  	s14 =	smov.u32 s15;
	s15 =	smov.u32 s16;
	s16 =	smov.u32 s17  }
0x14e: {  	s17 =	smov.u32 s18;
	s18 =	smov.u32 s19;
	_ =	swait.ge [sflag:s0], $0x1080  }
0x14f: {  	s19 =	smov.u32 s20;
	s20 =	smov.u32 s23;
	[sflag:s0] =	ssyncset.done $0x0  }
0x150: {  	s23 =	simm.s32 $0x1;
	s1 =	simm.s32 $0x2;
	[sflag:s0] =	ssyncadd.s32 $0xFFFFEF80  }
.LBB2_13:
0x151: {  	[bflag:$0x0] =	sbarrier.arrive $0xFFFF  }
0x152: {  	[tilespmem:s3], [sflag:$0x4] =	stream.linear.gather [spmem:s17], $0x600, $0x38;
	[tilespmem:$0xB660] =	vst v63  }
0x153: {  	_ =	swait.ge [sflag:s0], $0x600  }
0x154: {  	s9 =	simm.s32 $0x0;
	[sflag:s0] =	ssyncset.done $0x0  }
0x155: {  	v17 =	vor.u32 s9, v0;
	[sflag:s0] =	ssyncadd.s32 $0xFFFFFA00  }
0x156: {  	[tilespmem:s4], [sflag:$0x4] =	stream.linear.gather [spmem:s18], $0x600, $0x38;
	[tilespmem:$0xB660] =	vst v63  }
0x157: {  	_ =	swait.ge [sflag:s0], $0x600  }
0x158: {  	[sflag:s0] =	ssyncset.done $0x0  }
0x159: {  	[sflag:s0] =	ssyncadd.s32 $0xFFFFFA00  }
0x15a: {  	v18 =	vld.idx.msk [tilespmem:v17+s25+$0x0], $0xffff;
	_ =	sdelay $0x6  }
0x15b: {  	v19 =	vld.idx.msk [tilespmem:v17+s26+$0x0], $0xffff  }
0x15c: {  	v20 =	vld.idx.msk [tilespmem:v18+s3+$0x0], $0xffff;
	_ =	sdelay $0x4  }
0x15d: {  	v19 =	vadd.s32 v20, v19  }
0x15e: {  	v21 =	vld.idx.msk [tilespmem:v17+s29+$0x0], $0xffff;
	[tilespmem:v17+s26+$0x0] =	vst.idx.msk $0xffff, v19  }
0x15f: {  	v18 =	vld.idx.msk [tilespmem:v18+s4+$0x0], $0xffff;
	_ =	sdelay $0x3  }
0x160: {  	v19 =	vadd.s32 $0x300, v21  }
0x161: {  	vm0 =	vgt.s32 v18, $0x1D;
	vm1 =	vgt.s32 v18, $0x3B  }
0x162: {  	v18 =	vsel vm0, $0x1, v1;
	v20 =	vsel vm1, $0x1, v1  }
0x163: {  	v18 =	vadd.s32 v20, v18  }
0x164: {  	[tilespmem:v17+s5+$0x0] =	vst.idx.msk $0xffff, v18  }
0x165: {  	v18 =	vld.idx.msk [tilespmem:v19+s3+$0x0], $0xffff  }
0x166: {  	v20 =	vld.idx.msk [tilespmem:v17+s30+$0x0], $0xffff;
	_ =	sdelay $0x4  }
0x167: {  	v18 =	vadd.s32 v18, v20  }
0x168: {  	[tilespmem:v17+s30+$0x0] =	vst.idx.msk $0xffff, v18  }
0x169: {  	v18 =	vld.idx.msk [tilespmem:v19+s4+$0x0], $0xffff;
	_ =	sdelay $0x4  }
0x16a: {  	s10 =	simm.s32 $0x10;
	vm14 =	vgt.s32 v18, $0x1D;
	vm15 =	vgt.s32 v18, $0x3B  }
0x16b: {  	s9 =	simm.s32 $0x20;
	v18 =	vor.u32 s10, v0;
	v19 =	vsel vm14, $0x1, v1;
	v20 =	vsel vm15, $0x1, v1  }
.LBB2_14:
0x16c: {  	p1 =	sne.s32 s9, $0x3F0;
	v19 =	vadd.s32 v20, v19;
	s10 =	smov.u32 s9;
	s9 =	sadd.s32 $0x10, s9  }
0x16d: {  	[tilespmem:v17+s6+$0x0] =	vst.idx.msk $0xffff, v19;
	v17 =	vmov v18  }
0x16e: {  	v18 =	vld.idx.msk [tilespmem:v18+s25+$0x0], $0xffff;
	_ =	sdelay $0x6  }
0x16f: {  	v19 =	vld.idx.msk [tilespmem:v17+s26+$0x0], $0xffff  }
0x170: {  	v20 =	vld.idx.msk [tilespmem:v18+s3+$0x0], $0xffff;
	_ =	sdelay $0x5  }
0x171: {  	v19 =	vadd.s32 v20, v19;
	v21 =	vld.idx.msk [tilespmem:v17+s29+$0x0], $0xffff  }
0x172: {  	[tilespmem:v17+s26+$0x0] =	vst.idx.msk $0xffff, v19  }
0x173: {  	v18 =	vld.idx.msk [tilespmem:v18+s4+$0x0], $0xffff;
	_ =	sdelay $0x4  }
0x174: {  	v19 =	vadd.s32 $0x300, v21  }
0x175: {  	vm0 =	vgt.s32 v18, $0x1D;
	vm1 =	vgt.s32 v18, $0x3B  }
0x176: {  	v18 =	vsel vm0, $0x1, v1;
	v20 =	vsel vm1, $0x1, v1  }
0x177: {  	v18 =	vadd.s32 v20, v18  }
0x178: {  	[tilespmem:v17+s5+$0x0] =	vst.idx.msk $0xffff, v18  }
0x179: {  	v18 =	vld.idx.msk [tilespmem:v19+s3+$0x0], $0xffff  }
0x17a: {  	v20 =	vld.idx.msk [tilespmem:v17+s30+$0x0], $0xffff;
	_ =	sdelay $0x5  }
0x17b: {  	v18 =	vadd.s32 v18, v20  }
0x17c: {  	[tilespmem:v17+s30+$0x0] =	vst.idx.msk $0xffff, v18  }
0x17d: {  	v19 =	vld.idx.msk [tilespmem:v19+s4+$0x0], $0xffff;
	_ =	sdelay $0x2  }
.Ltmp6:
0x17e: {  	(pc) =	sbr.rel @p1 .LBB2_14-.Ltmp6, $4  }
0x17f: {  	_ = 	snop  }
0x180: {  	v18 =	vor.u32 s10, v0  }
0x181: {  	vm0 =	vgt.s32 v19, $0x1D;
	vm1 =	vgt.s32 v19, $0x3B  }
0x182: {  	v19 =	vsel vm0, $0x1, v1;
	v20 =	vsel vm1, $0x1, v1  }
0x183: {  	_ =	sdelay $0x2  }
0x184: {  	v19 =	vadd.s32 v20, v19  }
0x185: {  	[tilespmem:v17+s6+$0x0] =	vst.idx.msk $0xffff, v19  }
0x186: {  	v17 =	vld.idx.msk [tilespmem:v18+s25+$0x0], $0xffff;
	_ =	sdelay $0x6  }
0x187: {  	v19 =	vld.idx.msk [tilespmem:v18+s26+$0x0], $0xffff  }
0x188: {  	v61 =	vld.idx.msk [tilespmem:v17+s3+$0x0], $0xffff;
	_ =	sdelay $0x4  }
0x189: {  	v19 =	vadd.s32 v61, v19  }
0x18a: {  	v21 =	vld.idx.msk [tilespmem:v18+s29+$0x0], $0xffff;
	[tilespmem:v18+s26+$0x0] =	vst.idx.msk $0xffff, v19  }
0x18b: {  	v17 =	vld.idx.msk [tilespmem:v17+s4+$0x0], $0xffff;
	_ =	sdelay $0x3  }
0x18c: {  	v19 =	vadd.s32 $0x300, v21  }
0x18d: {  	vm0 =	vgt.s32 v17, $0x1D;
	vm1 =	vgt.s32 v17, $0x3B  }
0x18e: {  	v17 =	vsel vm0, $0x1, v1;
	v62 =	vsel vm1, $0x1, v1  }
0x18f: {  	v17 =	vadd.s32 v62, v17  }
0x190: {  	[tilespmem:v18+s5+$0x0] =	vst.idx.msk $0xffff, v17  }
0x191: {  	v17 =	vld.idx.msk [tilespmem:v19+s3+$0x0], $0xffff  }
0x192: {  	v63 =	vld.idx.msk [tilespmem:v18+s30+$0x0], $0xffff;
	_ =	sdelay $0x4  }
0x193: {  	v17 =	vadd.s32 v17, v63  }
0x194: {  	[tilespmem:v18+s30+$0x0] =	vst.idx.msk $0xffff, v17  }
0x195: {  	v17 =	vld.idx.msk [tilespmem:v19+s4+$0x0], $0xffff;
	_ =	sdelay $0x4  }
0x196: {  	vm14 =	vgt.s32 v17, $0x1D;
	vm15 =	vgt.s32 v17, $0x3B  }
0x197: {  	v17 =	vsel vm14, $0x1, v1;
	v19 =	vsel vm15, $0x1, v1  }
0x198: {  	v17 =	vadd.s32 v19, v17  }
0x199: {  	s9 =	rddreg [dreg:$0x14];
	[tilespmem:v18+s6+$0x0] =	vst.idx.msk $0xffff, v17  }
0x19a: {  	[hbm4b:s9+s2] =	stream.linear.scatter [tilespmem:s26], [sflag:$0x3], $0x400, $0x38;
	[tilespmem:$0xB660] =	vst v63  }
0x19b: {  	s10 =	rddreg [dreg:$0x15]  }
0x19c: {  	[hbm4b:s10+s2] =	stream.linear.scatter [tilespmem:s5], [sflag:$0x3], $0x400, $0x38;
	[tilespmem:$0xB660] =	vst v63  }
0x19d: {  	s10 =	rddreg [dreg:$0x16]  }
0x19e: {  	[hbm4b:s10+s2] =	stream.linear.scatter [tilespmem:s30], [sflag:$0x3], $0x400, $0x38;
	[tilespmem:$0xB660] =	vst v63  }
0x19f: {  	_ = 	snop  }
0x1a0: {  	[hbm4b:s19+s2] =	stream.linear.scatter [tilespmem:s6], [sflag:$0x3], $0x400, $0x38;
	[tilespmem:$0xB660] =	vst v63  }
0x1a1: {  	_ =	swait.ge [sflag:s7], $0x400  }
0x1a2: {  	[sflag:s7] =	ssyncset.done $0x0  }
0x1a3: {  	[sflag:s7] =	ssyncadd.s32 $0xFFFFFC00  }
0x1a4: {  	_ =	swait.ge [sflag:s7], $0x400  }
0x1a5: {  	[sflag:s7] =	ssyncset.done $0x0  }
0x1a6: {  	[sflag:s7] =	ssyncadd.s32 $0xFFFFFC00  }
0x1a7: {  	_ =	swait.ge [sflag:s7], $0x1000  }
0x1a8: {  	[sflag:s7] =	ssyncset.done $0x0  }
0x1a9: {  	[sflag:s7] =	ssyncadd.s32 $0xFFFFF000  }
0x1aa: {  	_ =	swait.ge [sflag:s7], $0x1000  }
0x1ab: {  	[sflag:s7] =	ssyncset.done $0x0  }
0x1ac: {  	[sflag:s7] =	ssyncadd.s32 $0xFFFFF000  }
0x1ad: {  	_ =	swait.ge [sflag:s7], $0x1000  }
0x1ae: {  	[sflag:s7] =	ssyncset.done $0x0  }
0x1af: {  	[sflag:s7] =	ssyncadd.s32 $0xFFFFF000  }
0x1b0: {  	_ =	swait.ge [sflag:s7], $0x400  }
0x1b1: {  	[sflag:s7] =	ssyncset.done $0x0  }
0x1b2: {  	[sflag:s7] =	ssyncadd.s32 $0xFFFFFC00  }
0x1b3: {  	_ =	swait.ge [sflag:s7], $0x400  }
0x1b4: {  	[sflag:s7] =	ssyncset.done $0x0  }
0x1b5: {  	s8 =	sadd.s32 $0x1, s8;
	[sflag:s7] =	ssyncadd.s32 $0xFFFFFC00  }
0x1b6: {  	p1 =	sne.s32 s8, s20;
	_ =	swait.ge [sflag:s7], $0x400  }
.Ltmp7:
0x1b7: {  	[sflag:s7] =	ssyncset.done $0x0;
	(pc) =	sbr.rel @p1 .LBB2_1-.Ltmp7, $4  }
0x1b8: {  	[sflag:s7] =	ssyncadd.s32 $0xFFFFFC00  }
0x1b9: {  	_ =	swait.ge [sflag:s7], $0x400  }
0x1ba: {  	[sflag:s7] =	ssyncset.done $0x0  }
0x1bb: {  	[sflag:s7] =	ssyncadd.s32 $0xFFFFFC00  }
0x1bc: {  	_ =	sfence.sel $0x180000  }
0x1bd: {  	[bflag:$0x0] =	sbarrier.arrive $0xFFFF  }
0x1be: {  	_ =	strace $0x90000047  }
0x1bf: {  	s0 =	stileid.u32;
	[bflag:$0x2] =	sbarrier.arrive $0xFFFF  }
0x1c0: {  	p0 =	sne.s32 s0, $0x0;
	s0 =	rddreg [dreg:$0xc]  }
0x1c1: {  	s0 =	sadd.s32 @!p0 $0x100000, s0  }
0x1c2: {  	[sflag:s0] =	ssyncadd.tile.s32 @!p0 $0x1;
	_ =	shalt  }
.Lfunc_end2:
_tile_overlayer_lowered:
.L_overlay_start_2:
0x1c3: {  	(tag) =	ssettag $0x2  }
0x1c4: {  	s0 =	rddreg [dreg:$0x0];
	s2 =	stileid.u32  }
0x1c5: {  	s1 =	rddreg [dreg:$0x1];
	p0 =	sne.s32 s2, $0x0  }
0x1c6: {  	s3 =	rddreg [dreg:$0x2];
	[bflag:$0x3] =	sbarrier.arrive $0xFFFF;
	s2 =	simm.s32 @!p0 $0x1C04  }
0x1c7: {  	[timem:s3], [sflag:s2] =	dma.local @!p0 [hbm:s0], s1  }
0x1c8: {  	s0 =	simm.s32 @!p0 $0x4  }
0x1c9: {  	_ =	swait.ge @!p0 [sflag:s0], s1  }
0x1ca: {  	s1 =	ssub.s32 @!p0 $0x0, s1;
	[sflag:s0] =	ssyncset.done @!p0 $0x0  }
0x1cb: {  	[sflag:s0] =	ssyncadd.s32 @!p0 s1  }
0x1cc: {  	[bflag:$0x3] =	sbarrier.arrive $0xFFFF  }
0x1cd: {  	_ =	shalt  }

</sc_bundles>
